<compile_context>
chip_gen: v7x
topology: tpu7x:2x2x1
jax: 0.10.2.dev20260603
libtpu: 0.0.44.dev20260713+nightly
codegen_flags: <defaults>
</compile_context>

<pallas_src>
import functools

import jax
import jax.numpy as jnp
import numpy as np
from jax import lax
from jax.experimental import pallas as pl
from jax.experimental.pallas import tpu as pltpu
from jax.experimental.pallas import tpu_sc as plsc

_NC = 2
_NS = 16
_NW = _NC * _NS


def _get_emb_np(sin_inp):
    emb = np.stack((np.sin(sin_inp), np.cos(sin_inp)), axis=-1)
    return emb.reshape(sin_inp.shape[0], -1)


@functools.lru_cache(maxsize=None)
def _pos_table_np(org_channels, x, y, z):
    channels = int(np.ceil(org_channels / 6) * 2)
    if channels % 2:
        channels += 1
    inv_freq = (1.0 / (10000.0 ** (np.arange(0, channels, 2, dtype=np.float32)
                                   / np.float32(channels)))).astype(np.float32)
    pos_x = np.arange(x, dtype=np.float32)
    pos_y = np.arange(y, dtype=np.float32)
    pos_z = np.arange(z, dtype=np.float32)
    sin_inp_x = np.einsum('i,j->ij', pos_x, inv_freq)
    sin_inp_y = np.einsum('i,j->ij', pos_y, inv_freq)
    sin_inp_z = np.einsum('i,j->ij', pos_z, inv_freq)
    emb_x = np.broadcast_to(_get_emb_np(sin_inp_x)[:, None, None, :],
                            (x, y, z, channels))
    emb_y = np.broadcast_to(_get_emb_np(sin_inp_y)[None, :, None, :],
                            (x, y, z, channels))
    emb_z = np.broadcast_to(_get_emb_np(sin_inp_z)[None, None, :, :],
                            (x, y, z, channels))
    emb = np.concatenate([emb_x, emb_y, emb_z], axis=-1)
    return np.ascontiguousarray(
        emb[:, :, :, :org_channels].reshape(x * y * z, org_channels)
    ).astype(np.float32)


@functools.lru_cache(maxsize=None)
def _build_sc_gather(N, V, D, L):
    B = N // L
    per_w = N // _NW
    C = 128
    nchunk = per_w // C
    GSUB = C // 128
    CQ = C // 128
    DT = D // 8
    LT = L // 128
    INNER = LT * 8 * 128
    assert per_w % C == 0 and C % 128 == 0 and L % C == 0
    assert nchunk % 2 == 0 and D % 16 == 0

    mesh = plsc.VectorSubcoreMesh(
        core_axis_name="c", subcore_axis_name="s",
        num_cores=_NC, num_subcores=_NS)

    @functools.partial(
        pl.kernel,
        out_type=jax.ShapeDtypeStruct((N * D // 128, 128), jnp.float32),
        mesh=mesh,
        compiler_params=pltpu.CompilerParams(use_tc_tiling_on_sc=False,
                                             needs_layout_passes=False),
        scratch_types=[
            pltpu.VMEM((2, C), jnp.int32),
            pltpu.VMEM((C, D), jnp.float32),
            pltpu.VMEM((C, D), jnp.float32),
            pltpu.VMEM((D, C + 1), jnp.float32),
            pltpu.VMEM((D, C + 1), jnp.float32),
            pltpu.VMEM((L, D), jnp.float32),
            pltpu.SemaphoreType.DMA,
            pltpu.SemaphoreType.DMA,
            pltpu.SemaphoreType.DMA,
            pltpu.SemaphoreType.DMA,
        ],
    )
    def body(idx_hbm, pos_hbm, table_hbm, out_hbm,
             idx_v, rows0, rows1, tb0, tb1, pos_v, g0, g1, w0, w1):
        cid = lax.axis_index("c")
        sid = lax.axis_index("s")
        wid = sid * _NC + cid
        base = wid * per_w
        rows = (rows0, rows1)
        tbs = (tb0, tb1)
        gsem = (g0, g1)
        wsem = (w0, w1)
        pltpu.sync_copy(pos_hbm, pos_v)

        ii = jnp.arange(16, dtype=jnp.int32)
        dvec = [16 * j + ii for j in range(D // 16)]

        def out_base128(k):
            g = base + k * C
            b = g // L
            lt0 = lax.rem(g, L) // 128
            return b * (DT * INNER // 128) + lt0 * 8

        def fetch_chunk(k, rb):
            g = base + k * C
            pltpu.sync_copy(idx_hbm.at[pl.ds(g, C)], idx_v.at[rb])
            for j in range(GSUB):
                pltpu.async_copy(
                    table_hbm.at[idx_v.at[rb].at[pl.ds(j * 128, 128)]],
                    rows[rb].at[pl.ds(j * 128, 128)], gsem[rb])

        def wait_gather(rb):
            for j in range(GSUB):
                pltpu.make_async_copy(
                    table_hbm.at[idx_v.at[rb].at[pl.ds(j * 128, 128)]],
                    rows[rb].at[pl.ds(j * 128, 128)], gsem[rb]).wait()

        def scatter_chunk(k, rb, tb):
            po = lax.rem(k, L // C) * C

            @plsc.parallel_loop(0, C, unroll=4)
            def _(l):
                bs = jnp.broadcast_to(l, (16,))
                for j in range(D // 16):
                    sl = pl.ds(16 * j, 16)
                    vals = rows[rb][l, sl] + pos_v[po + l, sl]
                    plsc.store_scatter(tbs[tb], [dvec[j], bs], vals)

        def fire_writeout(k, tb):
            ob = out_base128(k)
            for dt in range(DT):
                for lq in range(CQ):
                    pltpu.async_copy(
                        tbs[tb].at[pl.ds(dt * 8, 8), pl.ds(lq * 128, 128)],
                        out_hbm.at[pl.ds(ob + dt * (INNER // 128) + lq * 8, 8)],
                        wsem[tb])

        def wait_writeout(k, tb):
            ob = out_base128(k)
            for dt in range(DT):
                for lq in range(CQ):
                    pltpu.make_async_copy(
                        tbs[tb].at[pl.ds(dt * 8, 8), pl.ds(lq * 128, 128)],
                        out_hbm.at[pl.ds(ob + dt * (INNER // 128) + lq * 8, 8)],
                        wsem[tb]).wait()

        fetch_chunk(0, 0)

        def pair_body(i, carry):
            ka = 2 * i

            fetch_chunk(ka + 1, 1)

            wait_gather(0)

            @pl.when(i > 0)
            def _():
                wait_writeout(ka - 2, 0)
            scatter_chunk(ka, 0, 0)
            fire_writeout(ka, 0)

            @pl.when(i < nchunk // 2 - 1)
            def _():
                fetch_chunk(ka + 2, 0)

            wait_gather(1)

            @pl.when(i > 0)
            def _():
                wait_writeout(ka - 1, 1)
            scatter_chunk(ka + 1, 1, 1)
            fire_writeout(ka + 1, 1)
            return carry

        lax.fori_loop(0, nchunk // 2, pair_body, 0)
        wait_writeout(nchunk - 2, 0)
        wait_writeout(nchunk - 1, 1)

    return body


def kernel(x, W):
    B, L1, L2, orbit = x.shape
    V, D = W.shape
    L = L1 * L2 * orbit
    N = B * L
    DT, LT = D // 8, L // 128
    flat_idx = x.reshape(N)
    pos = jnp.asarray(_pos_table_np(D, L1, L2, orbit))
    out = _build_sc_gather(N, V, D, L)(flat_idx, pos, W)
    out5 = out.reshape(B, DT, LT, 8, 128)
    return out5.transpose(0, 2, 4, 1, 3).reshape(B, L, D)

# --- scband reference (transcript-rebuilt; emitter-appended) ---
"""Pipeline reference for scband-embedding-592705486983 (READ-ONLY COPY).

The authoritative reference and input builder live on the scoring server;
editing this copy changes nothing except your own understanding.
"""

import jax, jax.numpy as jnp
import numpy as np


def _get_emb(sin_inp):
    emb = jnp.stack((jnp.sin(sin_inp), jnp.cos(sin_inp)), axis=-1)
    return emb.reshape(sin_inp.shape[0], -1)


def _positional_encoding_3d(org_channels, x, y, z):
    # Faithful port of PositionalEncoding3D from the positional_encodings package.
    channels = int(np.ceil(org_channels / 6) * 2)
    if channels % 2:
        channels += 1
    inv_freq = 1.0 / (10000.0 ** (jnp.arange(0, channels, 2, dtype=jnp.float32) / channels))
    pos_x = jnp.arange(x, dtype=jnp.float32)
    pos_y = jnp.arange(y, dtype=jnp.float32)
    pos_z = jnp.arange(z, dtype=jnp.float32)
    sin_inp_x = jnp.einsum('i,j->ij', pos_x, inv_freq)
    sin_inp_y = jnp.einsum('i,j->ij', pos_y, inv_freq)
    sin_inp_z = jnp.einsum('i,j->ij', pos_z, inv_freq)
    emb_x = jnp.broadcast_to(_get_emb(sin_inp_x)[:, None, None, :], (x, y, z, channels))
    emb_y = jnp.broadcast_to(_get_emb(sin_inp_y)[None, :, None, :], (x, y, z, channels))
    emb_z = jnp.broadcast_to(_get_emb(sin_inp_z)[None, None, :, :], (x, y, z, channels))
    emb = jnp.concatenate([emb_x, emb_y, emb_z], axis=-1)
    return emb[None, :, :, :, :org_channels]


def setup_inputs(seed: int = 0):
    key = jax.random.key(seed)
    k1, k2 = jax.random.split(key)
    x = jax.random.randint(k1, (1024, 16, 16, 4), 0, 100000, dtype=jnp.int32)
    W = jax.random.normal(k2, (100000, 64), dtype=jnp.float32)
    return {'x': x, 'W': W}


def reference(x, W):
    B, L1, L2, orbit = x.shape
    flat_idx = x.reshape(B, L1 * L2 * orbit)
    result = jnp.take(W, flat_idx, axis=0)
    result = result.reshape(B, L1, L2, orbit, -1)
    pos = _positional_encoding_3d(result.shape[-1], L1, L2, orbit)
    result = result + pos
    return result.reshape(B, L1 * L2 * orbit, result.shape[-1])

if __name__ == "__main__":
    import jax
    _d = setup_inputs()
    print(jax.jit(kernel)(*tuple(_d.values())))

</pallas_src>

<mosaic_0001>
#map = affine_map<(d0, d1) -> (0)>
#map1 = affine_map<(d0, d1) -> (0, 0)>
module attributes {stable_mosaic.version = 14 : i64} {
  func.func @body(%arg0: i32, %arg1: i32, %arg2: memref<1048576xi32, #tpu.memory_space<hbm>>, %arg3: memref<1024x64xf32, #tpu.memory_space<hbm>>, %arg4: memref<100000x64xf32, #tpu.memory_space<hbm>>, %arg5: memref<524288x128xf32, #tpu.memory_space<hbm>>, %arg6: memref<2x128xi32, #tpu.memory_space<vmem>>, %arg7: memref<128x64xf32, #tpu.memory_space<vmem>>, %arg8: memref<128x64xf32, #tpu.memory_space<vmem>>, %arg9: memref<64x129xf32, #tpu.memory_space<vmem>>, %arg10: memref<64x129xf32, #tpu.memory_space<vmem>>, %arg11: memref<1024x64xf32, #tpu.memory_space<vmem>>, %arg12: memref<!tpu.dma_semaphore, #tpu.memory_space<semaphore_mem>>, %arg13: memref<!tpu.dma_semaphore, #tpu.memory_space<semaphore_mem>>, %arg14: memref<!tpu.dma_semaphore, #tpu.memory_space<semaphore_mem>>, %arg15: memref<!tpu.dma_semaphore, #tpu.memory_space<semaphore_mem>>) attributes {dimension_semantics = [#tpu.dimension_semantics<core_parallel>, #tpu.dimension_semantics<subcore_parallel>], iteration_bounds = array<i64: 2, 16>, scalar_prefetch = 0 : i64, scratch_operands = 10 : i64, tpu.core_type = #tpu.core_type<sc_vector_subcore>, window_params = [{transform_indices = #map}, {transform_indices = #map1}, {transform_indices = #map1}, {transform_indices = #map1}]} {
    %mul3A = arith.constant 2 : i32
    %mul3A_0 = arith.muli %arg1, %mul3A : i32
    %add3A = arith.addi %mul3A_0, %arg0 : i32
    %mul3A_1 = arith.constant 32768 : i32
    %mul3A_2 = arith.muli %add3A, %mul3A_1 : i32
    "tpu.region"() ({
      %run_scoped3A_362 = tpu.sem_alloc : memref<!tpu.dma_semaphore, #tpu.memory_space<semaphore_mem>>
      tpu.enqueue_dma source(%arg3 : memref<1024x64xf32, #tpu.memory_space<hbm>>) target(%arg11 : memref<1024x64xf32, #tpu.memory_space<vmem>>) target_semaphore(%run_scoped3A_362 : memref<!tpu.dma_semaphore, #tpu.memory_space<semaphore_mem>>)
      tpu.wait_dma2 semaphore(%run_scoped3A_362 : memref<!tpu.dma_semaphore, #tpu.memory_space<semaphore_mem>>) src(%arg3 : memref<1024x64xf32, #tpu.memory_space<hbm>>) dst(%arg11 : memref<1024x64xf32, #tpu.memory_space<vmem>>)
      tpu.yield
    }) : () -> ()
    %iota3A = tpu.iota {dimensions = array<i32: 0>} : vector<16xi32>
    %add3A_3 = arith.constant 0 : i32
    %add3A_4 = vector.broadcast %add3A_3 : i32 to vector<16xi32>
    %add3A_5 = arith.addi %add3A_4, %iota3A : vector<16xi32>
    %add3A_6 = arith.constant 16 : i32
    %add3A_7 = vector.broadcast %add3A_6 : i32 to vector<16xi32>
    %add3A_8 = arith.addi %add3A_7, %iota3A : vector<16xi32>
    %add3A_9 = arith.constant 32 : i32
    %add3A_10 = vector.broadcast %add3A_9 : i32 to vector<16xi32>
    %add3A_11 = arith.addi %add3A_10, %iota3A : vector<16xi32>
    %add3A_12 = arith.constant 48 : i32
    %add3A_13 = vector.broadcast %add3A_12 : i32 to vector<16xi32>
    %add3A_14 = arith.addi %add3A_13, %iota3A : vector<16xi32>
    %add3A_15 = arith.constant 0 : i32
    %add3A_16 = arith.addi %mul3A_2, %add3A_15 : i32
    %run_scoped3A = arith.constant 0 : i32
    "tpu.region"() ({
      %run_scoped3A_362 = tpu.sem_alloc : memref<!tpu.dma_semaphore, #tpu.memory_space<semaphore_mem>>
      %dma_start3A_363 = arith.constant 0 : i32
      %dma_start3A_364 = tpu.memref_slice %arg6[%run_scoped3A, %dma_start3A_363] : memref<2x128xi32, #tpu.memory_space<vmem>> -> memref<1x128xi32, #tpu.memory_space<vmem>>
      %dma_start3A_365 = tpu.memref_squeeze %dma_start3A_364 : memref<1x128xi32, #tpu.memory_space<vmem>> -> memref<128xi32, #tpu.memory_space<vmem>>
      %dma_start3A_366 = tpu.memref_slice %arg2[%add3A_16] : memref<1048576xi32, #tpu.memory_space<hbm>> -> memref<128xi32, #tpu.memory_space<hbm>>
      %dma_start3A_367 = arith.constant 0 : i32
      %dma_start3A_368 = tpu.memref_slice %arg6[%run_scoped3A, %dma_start3A_367] : memref<2x128xi32, #tpu.memory_space<vmem>> -> memref<1x128xi32, #tpu.memory_space<vmem>>
      %dma_start3A_369 = tpu.memref_squeeze %dma_start3A_368 : memref<1x128xi32, #tpu.memory_space<vmem>> -> memref<128xi32, #tpu.memory_space<vmem>>
      %dma_start3A_370 = tpu.memref_slice %arg2[%add3A_16] : memref<1048576xi32, #tpu.memory_space<hbm>> -> memref<128xi32, #tpu.memory_space<hbm>>
      tpu.enqueue_dma source(%dma_start3A_370 : memref<128xi32, #tpu.memory_space<hbm>>) target(%dma_start3A_369 : memref<128xi32, #tpu.memory_space<vmem>>) target_semaphore(%run_scoped3A_362 : memref<!tpu.dma_semaphore, #tpu.memory_space<semaphore_mem>>)
      %dma_wait3A_371 = arith.constant 0 : i32
      %dma_wait3A_372 = tpu.memref_slice %arg6[%run_scoped3A, %dma_wait3A_371] : memref<2x128xi32, #tpu.memory_space<vmem>> -> memref<1x128xi32, #tpu.memory_space<vmem>>
      %dma_wait3A_373 = tpu.memref_squeeze %dma_wait3A_372 : memref<1x128xi32, #tpu.memory_space<vmem>> -> memref<128xi32, #tpu.memory_space<vmem>>
      %dma_wait3A_374 = tpu.memref_slice %arg2[%add3A_16] : memref<1048576xi32, #tpu.memory_space<hbm>> -> memref<128xi32, #tpu.memory_space<hbm>>
      %dma_wait3A_375 = arith.constant 0 : i32
      %dma_wait3A_376 = tpu.memref_slice %arg6[%run_scoped3A, %dma_wait3A_375] : memref<2x128xi32, #tpu.memory_space<vmem>> -> memref<1x128xi32, #tpu.memory_space<vmem>>
      %dma_wait3A_377 = tpu.memref_squeeze %dma_wait3A_376 : memref<1x128xi32, #tpu.memory_space<vmem>> -> memref<128xi32, #tpu.memory_space<vmem>>
      %dma_wait3A_378 = tpu.memref_slice %arg2[%add3A_16] : memref<1048576xi32, #tpu.memory_space<hbm>> -> memref<128xi32, #tpu.memory_space<hbm>>
      tpu.wait_dma2 semaphore(%run_scoped3A_362 : memref<!tpu.dma_semaphore, #tpu.memory_space<semaphore_mem>>) src(%dma_wait3A_378 : memref<128xi32, #tpu.memory_space<hbm>>) dst(%dma_wait3A_377 : memref<128xi32, #tpu.memory_space<vmem>>)
      tpu.yield
    }) : () -> ()
    %dma_start3A = arith.constant 0 : i32
    %dma_start3A_17 = arith.constant 0 : i32
    %dma_start3A_18 = arith.constant 0 : i32
    %dma_start3A_19 = tpu.memref_slice %arg7[%dma_start3A_17, %dma_start3A_18] : memref<128x64xf32, #tpu.memory_space<vmem>> -> memref<128x64xf32, #tpu.memory_space<vmem>>
    %dma_start3A_20 = arith.constant 0 : i32
    %dma_start3A_21 = tpu.memref_slice %arg6[%dma_start3A, %dma_start3A_20] : memref<2x128xi32, #tpu.memory_space<vmem>> -> memref<1x128xi32, #tpu.memory_space<vmem>>
    %dma_start3A_22 = tpu.memref_squeeze %dma_start3A_21 : memref<1x128xi32, #tpu.memory_space<vmem>> -> memref<128xi32, #tpu.memory_space<vmem>>
    %dma_start3A_23 = arith.constant 0 : i32
    %dma_start3A_24 = tpu.memref_slice %dma_start3A_22[%dma_start3A_23] : memref<128xi32, #tpu.memory_space<vmem>> -> memref<128xi32, #tpu.memory_space<vmem>>
    %dma_start3A_25 = arith.constant 0 : i32
    %dma_start3A_26 = arith.constant 0 : i32
    %dma_start3A_27 = tpu.memref_slice %arg4[%dma_start3A_25, %dma_start3A_26] : memref<100000x64xf32, #tpu.memory_space<hbm>> -> memref<100000x64xf32, #tpu.memory_space<hbm>>
    tpu.enqueue_indirect_dma source(%dma_start3A_27 : memref<100000x64xf32, #tpu.memory_space<hbm>>) target(%dma_start3A_19 : memref<128x64xf32, #tpu.memory_space<vmem>>) offsets(%dma_start3A_24 : memref<128xi32, #tpu.memory_space<vmem>>) semaphore(%arg12 : memref<!tpu.dma_semaphore, #tpu.memory_space<semaphore_mem>>)
    %scan3A = arith.constant 0 : i32
    %scan3A_28 = arith.constant 0 : i32
    %scan3A_29 = arith.constant 128 : i32
    %scan3A_30 = arith.addi %scan3A_28, %scan3A_29 : i32
    %scan3A_31 = arith.constant 1 : i32
    scf.for %scan3A_362 = %scan3A_28 to %scan3A_30 step %scan3A_31  : i32 {
      %mul3A_363 = arith.constant 2 : i32
      %mul3A_364 = arith.muli %mul3A_363, %scan3A_362 : i32
      %add3A_365 = arith.constant 1 : i32
      %add3A_366 = arith.addi %mul3A_364, %add3A_365 : i32
      %mul3A_367 = arith.constant 128 : i32
      %mul3A_368 = arith.muli %add3A_366, %mul3A_367 : i32
      %add3A_369 = arith.addi %mul3A_2, %mul3A_368 : i32
      %run_scoped3A_370 = arith.constant 1 : i32
      "tpu.region"() ({
        %run_scoped3A_775 = tpu.sem_alloc : memref<!tpu.dma_semaphore, #tpu.memory_space<semaphore_mem>>
        %dma_start3A_776 = arith.constant 0 : i32
        %dma_start3A_777 = tpu.memref_slice %arg6[%run_scoped3A_370, %dma_start3A_776] : memref<2x128xi32, #tpu.memory_space<vmem>> -> memref<1x128xi32, #tpu.memory_space<vmem>>
        %dma_start3A_778 = tpu.memref_squeeze %dma_start3A_777 : memref<1x128xi32, #tpu.memory_space<vmem>> -> memref<128xi32, #tpu.memory_space<vmem>>
        %dma_start3A_779 = tpu.memref_slice %arg2[%add3A_369] : memref<1048576xi32, #tpu.memory_space<hbm>> -> memref<128xi32, #tpu.memory_space<hbm>>
        %dma_start3A_780 = arith.constant 0 : i32
        %dma_start3A_781 = tpu.memref_slice %arg6[%run_scoped3A_370, %dma_start3A_780] : memref<2x128xi32, #tpu.memory_space<vmem>> -> memref<1x128xi32, #tpu.memory_space<vmem>>
        %dma_start3A_782 = tpu.memref_squeeze %dma_start3A_781 : memref<1x128xi32, #tpu.memory_space<vmem>> -> memref<128xi32, #tpu.memory_space<vmem>>
        %dma_start3A_783 = tpu.memref_slice %arg2[%add3A_369] : memref<1048576xi32, #tpu.memory_space<hbm>> -> memref<128xi32, #tpu.memory_space<hbm>>
        tpu.enqueue_dma source(%dma_start3A_783 : memref<128xi32, #tpu.memory_space<hbm>>) target(%dma_start3A_782 : memref<128xi32, #tpu.memory_space<vmem>>) target_semaphore(%run_scoped3A_775 : memref<!tpu.dma_semaphore, #tpu.memory_space<semaphore_mem>>)
        %dma_wait3A_784 = arith.constant 0 : i32
        %dma_wait3A_785 = tpu.memref_slice %arg6[%run_scoped3A_370, %dma_wait3A_784] : memref<2x128xi32, #tpu.memory_space<vmem>> -> memref<1x128xi32, #tpu.memory_space<vmem>>
        %dma_wait3A_786 = tpu.memref_squeeze %dma_wait3A_785 : memref<1x128xi32, #tpu.memory_space<vmem>> -> memref<128xi32, #tpu.memory_space<vmem>>
        %dma_wait3A_787 = tpu.memref_slice %arg2[%add3A_369] : memref<1048576xi32, #tpu.memory_space<hbm>> -> memref<128xi32, #tpu.memory_space<hbm>>
        %dma_wait3A_788 = arith.constant 0 : i32
        %dma_wait3A_789 = tpu.memref_slice %arg6[%run_scoped3A_370, %dma_wait3A_788] : memref<2x128xi32, #tpu.memory_space<vmem>> -> memref<1x128xi32, #tpu.memory_space<vmem>>
        %dma_wait3A_790 = tpu.memref_squeeze %dma_wait3A_789 : memref<1x128xi32, #tpu.memory_space<vmem>> -> memref<128xi32, #tpu.memory_space<vmem>>
        %dma_wait3A_791 = tpu.memref_slice %arg2[%add3A_369] : memref<1048576xi32, #tpu.memory_space<hbm>> -> memref<128xi32, #tpu.memory_space<hbm>>
        tpu.wait_dma2 semaphore(%run_scoped3A_775 : memref<!tpu.dma_semaphore, #tpu.memory_space<semaphore_mem>>) src(%dma_wait3A_791 : memref<128xi32, #tpu.memory_space<hbm>>) dst(%dma_wait3A_790 : memref<128xi32, #tpu.memory_space<vmem>>)
        tpu.yield
      }) : () -> ()
      %dma_start3A_371 = arith.constant 1 : i32
      %dma_start3A_372 = arith.constant 0 : i32
      %dma_start3A_373 = arith.constant 0 : i32
      %dma_start3A_374 = tpu.memref_slice %arg8[%dma_start3A_372, %dma_start3A_373] : memref<128x64xf32, #tpu.memory_space<vmem>> -> memref<128x64xf32, #tpu.memory_space<vmem>>
      %dma_start3A_375 = arith.constant 0 : i32
      %dma_start3A_376 = tpu.memref_slice %arg6[%dma_start3A_371, %dma_start3A_375] : memref<2x128xi32, #tpu.memory_space<vmem>> -> memref<1x128xi32, #tpu.memory_space<vmem>>
      %dma_start3A_377 = tpu.memref_squeeze %dma_start3A_376 : memref<1x128xi32, #tpu.memory_space<vmem>> -> memref<128xi32, #tpu.memory_space<vmem>>
      %dma_start3A_378 = arith.constant 0 : i32
      %dma_start3A_379 = tpu.memref_slice %dma_start3A_377[%dma_start3A_378] : memref<128xi32, #tpu.memory_space<vmem>> -> memref<128xi32, #tpu.memory_space<vmem>>
      %dma_start3A_380 = arith.constant 0 : i32
      %dma_start3A_381 = arith.constant 0 : i32
      %dma_start3A_382 = tpu.memref_slice %arg4[%dma_start3A_380, %dma_start3A_381] : memref<100000x64xf32, #tpu.memory_space<hbm>> -> memref<100000x64xf32, #tpu.memory_space<hbm>>
      tpu.enqueue_indirect_dma source(%dma_start3A_382 : memref<100000x64xf32, #tpu.memory_space<hbm>>) target(%dma_start3A_374 : memref<128x64xf32, #tpu.memory_space<vmem>>) offsets(%dma_start3A_379 : memref<128xi32, #tpu.memory_space<vmem>>) semaphore(%arg13 : memref<!tpu.dma_semaphore, #tpu.memory_space<semaphore_mem>>)
      %dma_wait3A_383 = arith.constant 0 : i32
      %dma_wait3A_384 = arith.constant 0 : i32
      %dma_wait3A_385 = arith.constant 0 : i32
      %dma_wait3A_386 = tpu.memref_slice %arg7[%dma_wait3A_384, %dma_wait3A_385] : memref<128x64xf32, #tpu.memory_space<vmem>> -> memref<128x64xf32, #tpu.memory_space<vmem>>
      %dma_wait3A_387 = arith.constant 0 : i32
      %dma_wait3A_388 = tpu.memref_slice %arg6[%dma_wait3A_383, %dma_wait3A_387] : memref<2x128xi32, #tpu.memory_space<vmem>> -> memref<1x128xi32, #tpu.memory_space<vmem>>
      %dma_wait3A_389 = tpu.memref_squeeze %dma_wait3A_388 : memref<1x128xi32, #tpu.memory_space<vmem>> -> memref<128xi32, #tpu.memory_space<vmem>>
      %dma_wait3A_390 = arith.constant 0 : i32
      %dma_wait3A_391 = tpu.memref_slice %dma_wait3A_389[%dma_wait3A_390] : memref<128xi32, #tpu.memory_space<vmem>> -> memref<128xi32, #tpu.memory_space<vmem>>
      %dma_wait3A_392 = arith.constant 0 : i32
      %dma_wait3A_393 = arith.constant 0 : i32
      %dma_wait3A_394 = tpu.memref_slice %arg4[%dma_wait3A_392, %dma_wait3A_393] : memref<100000x64xf32, #tpu.memory_space<hbm>> -> memref<100000x64xf32, #tpu.memory_space<hbm>>
      tpu.wait_indirect_dma semaphore(%arg12 : memref<!tpu.dma_semaphore, #tpu.memory_space<semaphore_mem>>) src(%dma_wait3A_394 : memref<100000x64xf32, #tpu.memory_space<hbm>>) dst(%dma_wait3A_386 : memref<128x64xf32, #tpu.memory_space<vmem>>)
      %gt3A = arith.constant 0 : i32
      %gt3A_395 = arith.cmpi sgt, %scan3A_362, %gt3A : i32
      %convert_element_type3A = arith.extui %gt3A_395 : i1 to i32
      %cond3A = arith.constant 0 : i32
      %cond3A_396 = arith.cmpi ne, %convert_element_type3A, %cond3A : i32
      scf.if %cond3A_396 {
        %sub3A_775 = arith.constant 2 : i32
        %sub3A_776 = arith.subi %mul3A_364, %sub3A_775 : i32
        %mul3A_777 = arith.constant 128 : i32
        %mul3A_778 = arith.muli %sub3A_776, %mul3A_777 : i32
        %add3A_779 = arith.addi %mul3A_2, %mul3A_778 : i32
        %jit3A_780 = arith.constant 1024 : i32
        %div3A_781 = arith.divsi %add3A_779, %jit3A_780 : i32
        %sign3A_782 = arith.constant 0 : i32
        %sign3A_783 = arith.cmpi sgt, %add3A_779, %sign3A_782 : i32
        %sign3A_784 = arith.extui %sign3A_783 : i1 to i32
        %sign3A_785 = arith.constant 0 : i32
        %sign3A_786 = arith.cmpi slt, %add3A_779, %sign3A_785 : i32
        %sign3A_787 = arith.extui %sign3A_786 : i1 to i32
        %sign3A_788 = arith.subi %sign3A_784, %sign3A_787 : i32
        %sign3A_789 = arith.constant 0 : i32
        %sign3A_790 = arith.cmpi sgt, %jit3A_780, %sign3A_789 : i32
        %sign3A_791 = arith.extui %sign3A_790 : i1 to i32
        %sign3A_792 = arith.constant 0 : i32
        %sign3A_793 = arith.cmpi slt, %jit3A_780, %sign3A_792 : i32
        %sign3A_794 = arith.extui %sign3A_793 : i1 to i32
        %sign3A_795 = arith.subi %sign3A_791, %sign3A_794 : i32
        %ne3A_796 = arith.cmpi ne, %sign3A_788, %sign3A_795 : i32
        %rem3A_797 = arith.remsi %add3A_779, %jit3A_780 : i32
        %ne3A_798 = arith.constant 0 : i32
        %ne3A_799 = arith.cmpi ne, %rem3A_797, %ne3A_798 : i32
        %and3A_800 = arith.andi %ne3A_796, %ne3A_799 : i1
        %sub3A_801 = arith.constant 1 : i32
        %sub3A_802 = arith.subi %div3A_781, %sub3A_801 : i32
        %select_n3A_803 = arith.select %and3A_800, %sub3A_802, %div3A_781 : i32
        %rem3A_804 = arith.constant 1024 : i32
        %rem3A_805 = arith.remsi %add3A_779, %rem3A_804 : i32
        %jit3A_806 = arith.constant 128 : i32
        %div3A_807 = arith.divsi %rem3A_805, %jit3A_806 : i32
        %sign3A_808 = arith.constant 0 : i32
        %sign3A_809 = arith.cmpi sgt, %rem3A_805, %sign3A_808 : i32
        %sign3A_810 = arith.extui %sign3A_809 : i1 to i32
        %sign3A_811 = arith.constant 0 : i32
        %sign3A_812 = arith.cmpi slt, %rem3A_805, %sign3A_811 : i32
        %sign3A_813 = arith.extui %sign3A_812 : i1 to i32
        %sign3A_814 = arith.subi %sign3A_810, %sign3A_813 : i32
        %sign3A_815 = arith.constant 0 : i32
        %sign3A_816 = arith.cmpi sgt, %jit3A_806, %sign3A_815 : i32
        %sign3A_817 = arith.extui %sign3A_816 : i1 to i32
        %sign3A_818 = arith.constant 0 : i32
        %sign3A_819 = arith.cmpi slt, %jit3A_806, %sign3A_818 : i32
        %sign3A_820 = arith.extui %sign3A_819 : i1 to i32
        %sign3A_821 = arith.subi %sign3A_817, %sign3A_820 : i32
        %ne3A_822 = arith.cmpi ne, %sign3A_814, %sign3A_821 : i32
        %rem3A_823 = arith.remsi %rem3A_805, %jit3A_806 : i32
        %ne3A_824 = arith.constant 0 : i32
        %ne3A_825 = arith.cmpi ne, %rem3A_823, %ne3A_824 : i32
        %and3A_826 = arith.andi %ne3A_822, %ne3A_825 : i1
        %sub3A_827 = arith.constant 1 : i32
        %sub3A_828 = arith.subi %div3A_807, %sub3A_827 : i32
        %select_n3A_829 = arith.select %and3A_826, %sub3A_828, %div3A_807 : i32
        %mul3A_830 = arith.constant 512 : i32
        %mul3A_831 = arith.muli %select_n3A_803, %mul3A_830 : i32
        %mul3A_832 = arith.constant 8 : i32
        %mul3A_833 = arith.muli %select_n3A_829, %mul3A_832 : i32
        %add3A_834 = arith.addi %mul3A_831, %mul3A_833 : i32
        %add3A_835 = arith.constant 0 : i32
        %add3A_836 = arith.addi %add3A_834, %add3A_835 : i32
        %add3A_837 = arith.constant 0 : i32
        %add3A_838 = arith.addi %add3A_836, %add3A_837 : i32
        %dma_wait3A_839 = arith.constant 0 : i32
        %dma_wait3A_840 = arith.constant 0 : i32
        %dma_wait3A_841 = tpu.memref_slice %arg9[%dma_wait3A_839, %dma_wait3A_840] : memref<64x129xf32, #tpu.memory_space<vmem>> -> memref<8x128xf32, #tpu.memory_space<vmem>>
        %dma_wait3A_842 = arith.constant 0 : i32
        %dma_wait3A_843 = tpu.memref_slice %arg5[%add3A_838, %dma_wait3A_842] : memref<524288x128xf32, #tpu.memory_space<hbm>> -> memref<8x128xf32, #tpu.memory_space<hbm>>
        %dma_wait3A_844 = arith.constant 0 : i32
        %dma_wait3A_845 = tpu.memref_slice %arg5[%add3A_838, %dma_wait3A_844] : memref<524288x128xf32, #tpu.memory_space<hbm>> -> memref<8x128xf32, #tpu.memory_space<hbm>>
        %dma_wait3A_846 = arith.constant 0 : i32
        %dma_wait3A_847 = arith.constant 0 : i32
        %dma_wait3A_848 = tpu.memref_slice %arg9[%dma_wait3A_846, %dma_wait3A_847] : memref<64x129xf32, #tpu.memory_space<vmem>> -> memref<8x128xf32, #tpu.memory_space<vmem>>
        tpu.wait_dma2 semaphore(%arg14 : memref<!tpu.dma_semaphore, #tpu.memory_space<semaphore_mem>>) src(%dma_wait3A_848 : memref<8x128xf32, #tpu.memory_space<vmem>>) dst(%dma_wait3A_845 : memref<8x128xf32, #tpu.memory_space<hbm>>)
        %add3A_849 = arith.constant 64 : i32
        %add3A_850 = arith.addi %add3A_834, %add3A_849 : i32
        %add3A_851 = arith.constant 0 : i32
        %add3A_852 = arith.addi %add3A_850, %add3A_851 : i32
        %dma_wait3A_853 = arith.constant 8 : i32
        %dma_wait3A_854 = arith.constant 0 : i32
        %dma_wait3A_855 = tpu.memref_slice %arg9[%dma_wait3A_853, %dma_wait3A_854] : memref<64x129xf32, #tpu.memory_space<vmem>> -> memref<8x128xf32, #tpu.memory_space<vmem>>
        %dma_wait3A_856 = arith.constant 0 : i32
        %dma_wait3A_857 = tpu.memref_slice %arg5[%add3A_852, %dma_wait3A_856] : memref<524288x128xf32, #tpu.memory_space<hbm>> -> memref<8x128xf32, #tpu.memory_space<hbm>>
        %dma_wait3A_858 = arith.constant 0 : i32
        %dma_wait3A_859 = tpu.memref_slice %arg5[%add3A_852, %dma_wait3A_858] : memref<524288x128xf32, #tpu.memory_space<hbm>> -> memref<8x128xf32, #tpu.memory_space<hbm>>
        %dma_wait3A_860 = arith.constant 8 : i32
        %dma_wait3A_861 = arith.constant 0 : i32
        %dma_wait3A_862 = tpu.memref_slice %arg9[%dma_wait3A_860, %dma_wait3A_861] : memref<64x129xf32, #tpu.memory_space<vmem>> -> memref<8x128xf32, #tpu.memory_space<vmem>>
        tpu.wait_dma2 semaphore(%arg14 : memref<!tpu.dma_semaphore, #tpu.memory_space<semaphore_mem>>) src(%dma_wait3A_862 : memref<8x128xf32, #tpu.memory_space<vmem>>) dst(%dma_wait3A_859 : memref<8x128xf32, #tpu.memory_space<hbm>>)
        %add3A_863 = arith.constant 128 : i32
        %add3A_864 = arith.addi %add3A_834, %add3A_863 : i32
        %add3A_865 = arith.constant 0 : i32
        %add3A_866 = arith.addi %add3A_864, %add3A_865 : i32
        %dma_wait3A_867 = arith.constant 16 : i32
        %dma_wait3A_868 = arith.constant 0 : i32
        %dma_wait3A_869 = tpu.memref_slice %arg9[%dma_wait3A_867, %dma_wait3A_868] : memref<64x129xf32, #tpu.memory_space<vmem>> -> memref<8x128xf32, #tpu.memory_space<vmem>>
        %dma_wait3A_870 = arith.constant 0 : i32
        %dma_wait3A_871 = tpu.memref_slice %arg5[%add3A_866, %dma_wait3A_870] : memref<524288x128xf32, #tpu.memory_space<hbm>> -> memref<8x128xf32, #tpu.memory_space<hbm>>
        %dma_wait3A_872 = arith.constant 0 : i32
        %dma_wait3A_873 = tpu.memref_slice %arg5[%add3A_866, %dma_wait3A_872] : memref<524288x128xf32, #tpu.memory_space<hbm>> -> memref<8x128xf32, #tpu.memory_space<hbm>>
        %dma_wait3A_874 = arith.constant 16 : i32
        %dma_wait3A_875 = arith.constant 0 : i32
        %dma_wait3A_876 = tpu.memref_slice %arg9[%dma_wait3A_874, %dma_wait3A_875] : memref<64x129xf32, #tpu.memory_space<vmem>> -> memref<8x128xf32, #tpu.memory_space<vmem>>
        tpu.wait_dma2 semaphore(%arg14 : memref<!tpu.dma_semaphore, #tpu.memory_space<semaphore_mem>>) src(%dma_wait3A_876 : memref<8x128xf32, #tpu.memory_space<vmem>>) dst(%dma_wait3A_873 : memref<8x128xf32, #tpu.memory_space<hbm>>)
        %add3A_877 = arith.constant 192 : i32
        %add3A_878 = arith.addi %add3A_834, %add3A_877 : i32
        %add3A_879 = arith.constant 0 : i32
        %add3A_880 = arith.addi %add3A_878, %add3A_879 : i32
        %dma_wait3A_881 = arith.constant 24 : i32
        %dma_wait3A_882 = arith.constant 0 : i32
        %dma_wait3A_883 = tpu.memref_slice %arg9[%dma_wait3A_881, %dma_wait3A_882] : memref<64x129xf32, #tpu.memory_space<vmem>> -> memref<8x128xf32, #tpu.memory_space<vmem>>
        %dma_wait3A_884 = arith.constant 0 : i32
        %dma_wait3A_885 = tpu.memref_slice %arg5[%add3A_880, %dma_wait3A_884] : memref<524288x128xf32, #tpu.memory_space<hbm>> -> memref<8x128xf32, #tpu.memory_space<hbm>>
        %dma_wait3A_886 = arith.constant 0 : i32
        %dma_wait3A_887 = tpu.memref_slice %arg5[%add3A_880, %dma_wait3A_886] : memref<524288x128xf32, #tpu.memory_space<hbm>> -> memref<8x128xf32, #tpu.memory_space<hbm>>
        %dma_wait3A_888 = arith.constant 24 : i32
        %dma_wait3A_889 = arith.constant 0 : i32
        %dma_wait3A_890 = tpu.memref_slice %arg9[%dma_wait3A_888, %dma_wait3A_889] : memref<64x129xf32, #tpu.memory_space<vmem>> -> memref<8x128xf32, #tpu.memory_space<vmem>>
        tpu.wait_dma2 semaphore(%arg14 : memref<!tpu.dma_semaphore, #tpu.memory_space<semaphore_mem>>) src(%dma_wait3A_890 : memref<8x128xf32, #tpu.memory_space<vmem>>) dst(%dma_wait3A_887 : memref<8x128xf32, #tpu.memory_space<hbm>>)
        %add3A_891 = arith.constant 256 : i32
        %add3A_892 = arith.addi %add3A_834, %add3A_891 : i32
        %add3A_893 = arith.constant 0 : i32
        %add3A_894 = arith.addi %add3A_892, %add3A_893 : i32
        %dma_wait3A_895 = arith.constant 32 : i32
        %dma_wait3A_896 = arith.constant 0 : i32
        %dma_wait3A_897 = tpu.memref_slice %arg9[%dma_wait3A_895, %dma_wait3A_896] : memref<64x129xf32, #tpu.memory_space<vmem>> -> memref<8x128xf32, #tpu.memory_space<vmem>>
        %dma_wait3A_898 = arith.constant 0 : i32
        %dma_wait3A_899 = tpu.memref_slice %arg5[%add3A_894, %dma_wait3A_898] : memref<524288x128xf32, #tpu.memory_space<hbm>> -> memref<8x128xf32, #tpu.memory_space<hbm>>
        %dma_wait3A_900 = arith.constant 0 : i32
        %dma_wait3A_901 = tpu.memref_slice %arg5[%add3A_894, %dma_wait3A_900] : memref<524288x128xf32, #tpu.memory_space<hbm>> -> memref<8x128xf32, #tpu.memory_space<hbm>>
        %dma_wait3A_902 = arith.constant 32 : i32
        %dma_wait3A_903 = arith.constant 0 : i32
        %dma_wait3A_904 = tpu.memref_slice %arg9[%dma_wait3A_902, %dma_wait3A_903] : memref<64x129xf32, #tpu.memory_space<vmem>> -> memref<8x128xf32, #tpu.memory_space<vmem>>
        tpu.wait_dma2 semaphore(%arg14 : memref<!tpu.dma_semaphore, #tpu.memory_space<semaphore_mem>>) src(%dma_wait3A_904 : memref<8x128xf32, #tpu.memory_space<vmem>>) dst(%dma_wait3A_901 : memref<8x128xf32, #tpu.memory_space<hbm>>)
        %add3A_905 = arith.constant 320 : i32
        %add3A_906 = arith.addi %add3A_834, %add3A_905 : i32
        %add3A_907 = arith.constant 0 : i32
        %add3A_908 = arith.addi %add3A_906, %add3A_907 : i32
        %dma_wait3A_909 = arith.constant 40 : i32
        %dma_wait3A_910 = arith.constant 0 : i32
        %dma_wait3A_911 = tpu.memref_slice %arg9[%dma_wait3A_909, %dma_wait3A_910] : memref<64x129xf32, #tpu.memory_space<vmem>> -> memref<8x128xf32, #tpu.memory_space<vmem>>
        %dma_wait3A_912 = arith.constant 0 : i32
        %dma_wait3A_913 = tpu.memref_slice %arg5[%add3A_908, %dma_wait3A_912] : memref<524288x128xf32, #tpu.memory_space<hbm>> -> memref<8x128xf32, #tpu.memory_space<hbm>>
        %dma_wait3A_914 = arith.constant 0 : i32
        %dma_wait3A_915 = tpu.memref_slice %arg5[%add3A_908, %dma_wait3A_914] : memref<524288x128xf32, #tpu.memory_space<hbm>> -> memref<8x128xf32, #tpu.memory_space<hbm>>
        %dma_wait3A_916 = arith.constant 40 : i32
        %dma_wait3A_917 = arith.constant 0 : i32
        %dma_wait3A_918 = tpu.memref_slice %arg9[%dma_wait3A_916, %dma_wait3A_917] : memref<64x129xf32, #tpu.memory_space<vmem>> -> memref<8x128xf32, #tpu.memory_space<vmem>>
        tpu.wait_dma2 semaphore(%arg14 : memref<!tpu.dma_semaphore, #tpu.memory_space<semaphore_mem>>) src(%dma_wait3A_918 : memref<8x128xf32, #tpu.memory_space<vmem>>) dst(%dma_wait3A_915 : memref<8x128xf32, #tpu.memory_space<hbm>>)
        %add3A_919 = arith.constant 384 : i32
        %add3A_920 = arith.addi %add3A_834, %add3A_919 : i32
        %add3A_921 = arith.constant 0 : i32
        %add3A_922 = arith.addi %add3A_920, %add3A_921 : i32
        %dma_wait3A_923 = arith.constant 48 : i32
        %dma_wait3A_924 = arith.constant 0 : i32
        %dma_wait3A_925 = tpu.memref_slice %arg9[%dma_wait3A_923, %dma_wait3A_924] : memref<64x129xf32, #tpu.memory_space<vmem>> -> memref<8x128xf32, #tpu.memory_space<vmem>>
        %dma_wait3A_926 = arith.constant 0 : i32
        %dma_wait3A_927 = tpu.memref_slice %arg5[%add3A_922, %dma_wait3A_926] : memref<524288x128xf32, #tpu.memory_space<hbm>> -> memref<8x128xf32, #tpu.memory_space<hbm>>
        %dma_wait3A_928 = arith.constant 0 : i32
        %dma_wait3A_929 = tpu.memref_slice %arg5[%add3A_922, %dma_wait3A_928] : memref<524288x128xf32, #tpu.memory_space<hbm>> -> memref<8x128xf32, #tpu.memory_space<hbm>>
        %dma_wait3A_930 = arith.constant 48 : i32
        %dma_wait3A_931 = arith.constant 0 : i32
        %dma_wait3A_932 = tpu.memref_slice %arg9[%dma_wait3A_930, %dma_wait3A_931] : memref<64x129xf32, #tpu.memory_space<vmem>> -> memref<8x128xf32, #tpu.memory_space<vmem>>
        tpu.wait_dma2 semaphore(%arg14 : memref<!tpu.dma_semaphore, #tpu.memory_space<semaphore_mem>>) src(%dma_wait3A_932 : memref<8x128xf32, #tpu.memory_space<vmem>>) dst(%dma_wait3A_929 : memref<8x128xf32, #tpu.memory_space<hbm>>)
        %add3A_933 = arith.constant 448 : i32
        %add3A_934 = arith.addi %add3A_834, %add3A_933 : i32
        %add3A_935 = arith.constant 0 : i32
        %add3A_936 = arith.addi %add3A_934, %add3A_935 : i32
        %dma_wait3A_937 = arith.constant 56 : i32
        %dma_wait3A_938 = arith.constant 0 : i32
        %dma_wait3A_939 = tpu.memref_slice %arg9[%dma_wait3A_937, %dma_wait3A_938] : memref<64x129xf32, #tpu.memory_space<vmem>> -> memref<8x128xf32, #tpu.memory_space<vmem>>
        %dma_wait3A_940 = arith.constant 0 : i32
        %dma_wait3A_941 = tpu.memref_slice %arg5[%add3A_936, %dma_wait3A_940] : memref<524288x128xf32, #tpu.memory_space<hbm>> -> memref<8x128xf32, #tpu.memory_space<hbm>>
        %dma_wait3A_942 = arith.constant 0 : i32
        %dma_wait3A_943 = tpu.memref_slice %arg5[%add3A_936, %dma_wait3A_942] : memref<524288x128xf32, #tpu.memory_space<hbm>> -> memref<8x128xf32, #tpu.memory_space<hbm>>
        %dma_wait3A_944 = arith.constant 56 : i32
        %dma_wait3A_945 = arith.constant 0 : i32
        %dma_wait3A_946 = tpu.memref_slice %arg9[%dma_wait3A_944, %dma_wait3A_945] : memref<64x129xf32, #tpu.memory_space<vmem>> -> memref<8x128xf32, #tpu.memory_space<vmem>>
        tpu.wait_dma2 semaphore(%arg14 : memref<!tpu.dma_semaphore, #tpu.memory_space<semaphore_mem>>) src(%dma_wait3A_946 : memref<8x128xf32, #tpu.memory_space<vmem>>) dst(%dma_wait3A_943 : memref<8x128xf32, #tpu.memory_space<hbm>>)
      } else {
      }
      %rem3A_397 = arith.constant 8 : i32
      %rem3A_398 = arith.remsi %mul3A_364, %rem3A_397 : i32
      %mul3A_399 = arith.constant 128 : i32
      %mul3A_400 = arith.muli %rem3A_398, %mul3A_399 : i32
      %parallel_loop3A = arith.constant 0 : i32
      %parallel_loop3A_401 = arith.constant 128 : i32
      %parallel_loop3A_402 = arith.constant 1 : i32
      scf.for %parallel_loop3A_775 = %parallel_loop3A to %parallel_loop3A_401 step %parallel_loop3A_402  : i32 {
        %parallel_loop3A_776 = vector.broadcast %parallel_loop3A_775 : i32 to vector<16xi32>
        %parallel_loop3A_777 = arith.index_cast %parallel_loop3A_775 : i32 to index
        %parallel_loop3A_778 = arith.constant 0 : index
        %parallel_loop3A_779 = tpu.vector_load %arg7[%parallel_loop3A_777, %parallel_loop3A_778] {strides = array<i32>} : memref<128x64xf32, #tpu.memory_space<vmem>>, vector<16xf32>,
        %parallel_loop3A_780 = arith.addi %mul3A_400, %parallel_loop3A_775 : i32
        %parallel_loop3A_781 = arith.index_cast %parallel_loop3A_780 : i32 to index
        %parallel_loop3A_782 = arith.constant 0 : index
        %parallel_loop3A_783 = tpu.vector_load %arg11[%parallel_loop3A_781, %parallel_loop3A_782] {strides = array<i32>} : memref<1024x64xf32, #tpu.memory_space<vmem>>, vector<16xf32>,
        %parallel_loop3A_784 = arith.addf %parallel_loop3A_779, %parallel_loop3A_783 : vector<16xf32>
        tpu.vector_store_idx %arg9[%add3A_5, %parallel_loop3A_776], %parallel_loop3A_784 : memref<64x129xf32, #tpu.memory_space<vmem>>[vector<16xi32>, vector<16xi32>], vector<16xf32>,
        %parallel_loop3A_785 = arith.index_cast %parallel_loop3A_775 : i32 to index
        %parallel_loop3A_786 = arith.constant 16 : index
        %parallel_loop3A_787 = tpu.vector_load %arg7[%parallel_loop3A_785, %parallel_loop3A_786] {strides = array<i32>} : memref<128x64xf32, #tpu.memory_space<vmem>>, vector<16xf32>,
        %parallel_loop3A_788 = arith.addi %mul3A_400, %parallel_loop3A_775 : i32
        %parallel_loop3A_789 = arith.index_cast %parallel_loop3A_788 : i32 to index
        %parallel_loop3A_790 = arith.constant 16 : index
        %parallel_loop3A_791 = tpu.vector_load %arg11[%parallel_loop3A_789, %parallel_loop3A_790] {strides = array<i32>} : memref<1024x64xf32, #tpu.memory_space<vmem>>, vector<16xf32>,
        %parallel_loop3A_792 = arith.addf %parallel_loop3A_787, %parallel_loop3A_791 : vector<16xf32>
        tpu.vector_store_idx %arg9[%add3A_8, %parallel_loop3A_776], %parallel_loop3A_792 : memref<64x129xf32, #tpu.memory_space<vmem>>[vector<16xi32>, vector<16xi32>], vector<16xf32>,
        %parallel_loop3A_793 = arith.index_cast %parallel_loop3A_775 : i32 to index
        %parallel_loop3A_794 = arith.constant 32 : index
        %parallel_loop3A_795 = tpu.vector_load %arg7[%parallel_loop3A_793, %parallel_loop3A_794] {strides = array<i32>} : memref<128x64xf32, #tpu.memory_space<vmem>>, vector<16xf32>,
        %parallel_loop3A_796 = arith.addi %mul3A_400, %parallel_loop3A_775 : i32
        %parallel_loop3A_797 = arith.index_cast %parallel_loop3A_796 : i32 to index
        %parallel_loop3A_798 = arith.constant 32 : index
        %parallel_loop3A_799 = tpu.vector_load %arg11[%parallel_loop3A_797, %parallel_loop3A_798] {strides = array<i32>} : memref<1024x64xf32, #tpu.memory_space<vmem>>, vector<16xf32>,
        %parallel_loop3A_800 = arith.addf %parallel_loop3A_795, %parallel_loop3A_799 : vector<16xf32>
        tpu.vector_store_idx %arg9[%add3A_11, %parallel_loop3A_776], %parallel_loop3A_800 : memref<64x129xf32, #tpu.memory_space<vmem>>[vector<16xi32>, vector<16xi32>], vector<16xf32>,
        %parallel_loop3A_801 = arith.index_cast %parallel_loop3A_775 : i32 to index
        %parallel_loop3A_802 = arith.constant 48 : index
        %parallel_loop3A_803 = tpu.vector_load %arg7[%parallel_loop3A_801, %parallel_loop3A_802] {strides = array<i32>} : memref<128x64xf32, #tpu.memory_space<vmem>>, vector<16xf32>,
        %parallel_loop3A_804 = arith.addi %mul3A_400, %parallel_loop3A_775 : i32
        %parallel_loop3A_805 = arith.index_cast %parallel_loop3A_804 : i32 to index
        %parallel_loop3A_806 = arith.constant 48 : index
        %parallel_loop3A_807 = tpu.vector_load %arg11[%parallel_loop3A_805, %parallel_loop3A_806] {strides = array<i32>} : memref<1024x64xf32, #tpu.memory_space<vmem>>, vector<16xf32>,
        %parallel_loop3A_808 = arith.addf %parallel_loop3A_803, %parallel_loop3A_807 : vector<16xf32>
        tpu.vector_store_idx %arg9[%add3A_14, %parallel_loop3A_776], %parallel_loop3A_808 : memref<64x129xf32, #tpu.memory_space<vmem>>[vector<16xi32>, vector<16xi32>], vector<16xf32>,
      } {sc.loop_unroll_factor = 4 : i64, sc.parallel_access}
      %mul3A_403 = arith.constant 128 : i32
      %mul3A_404 = arith.muli %mul3A_364, %mul3A_403 : i32
      %add3A_405 = arith.addi %mul3A_2, %mul3A_404 : i32
      %jit3A_406 = arith.constant 1024 : i32
      %div3A_407 = arith.divsi %add3A_405, %jit3A_406 : i32
      %sign3A_408 = arith.constant 0 : i32
      %sign3A_409 = arith.cmpi sgt, %add3A_405, %sign3A_408 : i32
      %sign3A_410 = arith.extui %sign3A_409 : i1 to i32
      %sign3A_411 = arith.constant 0 : i32
      %sign3A_412 = arith.cmpi slt, %add3A_405, %sign3A_411 : i32
      %sign3A_413 = arith.extui %sign3A_412 : i1 to i32
      %sign3A_414 = arith.subi %sign3A_410, %sign3A_413 : i32
      %sign3A_415 = arith.constant 0 : i32
      %sign3A_416 = arith.cmpi sgt, %jit3A_406, %sign3A_415 : i32
      %sign3A_417 = arith.extui %sign3A_416 : i1 to i32
      %sign3A_418 = arith.constant 0 : i32
      %sign3A_419 = arith.cmpi slt, %jit3A_406, %sign3A_418 : i32
      %sign3A_420 = arith.extui %sign3A_419 : i1 to i32
      %sign3A_421 = arith.subi %sign3A_417, %sign3A_420 : i32
      %ne3A_422 = arith.cmpi ne, %sign3A_414, %sign3A_421 : i32
      %rem3A_423 = arith.remsi %add3A_405, %jit3A_406 : i32
      %ne3A_424 = arith.constant 0 : i32
      %ne3A_425 = arith.cmpi ne, %rem3A_423, %ne3A_424 : i32
      %and3A_426 = arith.andi %ne3A_422, %ne3A_425 : i1
      %sub3A_427 = arith.constant 1 : i32
      %sub3A_428 = arith.subi %div3A_407, %sub3A_427 : i32
      %select_n3A_429 = arith.select %and3A_426, %sub3A_428, %div3A_407 : i32
      %rem3A_430 = arith.constant 1024 : i32
      %rem3A_431 = arith.remsi %add3A_405, %rem3A_430 : i32
      %jit3A_432 = arith.constant 128 : i32
      %div3A_433 = arith.divsi %rem3A_431, %jit3A_432 : i32
      %sign3A_434 = arith.constant 0 : i32
      %sign3A_435 = arith.cmpi sgt, %rem3A_431, %sign3A_434 : i32
      %sign3A_436 = arith.extui %sign3A_435 : i1 to i32
      %sign3A_437 = arith.constant 0 : i32
      %sign3A_438 = arith.cmpi slt, %rem3A_431, %sign3A_437 : i32
      %sign3A_439 = arith.extui %sign3A_438 : i1 to i32
      %sign3A_440 = arith.subi %sign3A_436, %sign3A_439 : i32
      %sign3A_441 = arith.constant 0 : i32
      %sign3A_442 = arith.cmpi sgt, %jit3A_432, %sign3A_441 : i32
      %sign3A_443 = arith.extui %sign3A_442 : i1 to i32
      %sign3A_444 = arith.constant 0 : i32
      %sign3A_445 = arith.cmpi slt, %jit3A_432, %sign3A_444 : i32
      %sign3A_446 = arith.extui %sign3A_445 : i1 to i32
      %sign3A_447 = arith.subi %sign3A_443, %sign3A_446 : i32
      %ne3A_448 = arith.cmpi ne, %sign3A_440, %sign3A_447 : i32
      %rem3A_449 = arith.remsi %rem3A_431, %jit3A_432 : i32
      %ne3A_450 = arith.constant 0 : i32
      %ne3A_451 = arith.cmpi ne, %rem3A_449, %ne3A_450 : i32
      %and3A_452 = arith.andi %ne3A_448, %ne3A_451 : i1
      %sub3A_453 = arith.constant 1 : i32
      %sub3A_454 = arith.subi %div3A_433, %sub3A_453 : i32
      %select_n3A_455 = arith.select %and3A_452, %sub3A_454, %div3A_433 : i32
      %mul3A_456 = arith.constant 512 : i32
      %mul3A_457 = arith.muli %select_n3A_429, %mul3A_456 : i32
      %mul3A_458 = arith.constant 8 : i32
      %mul3A_459 = arith.muli %select_n3A_455, %mul3A_458 : i32
      %add3A_460 = arith.addi %mul3A_457, %mul3A_459 : i32
      %add3A_461 = arith.constant 0 : i32
      %add3A_462 = arith.addi %add3A_460, %add3A_461 : i32
      %add3A_463 = arith.constant 0 : i32
      %add3A_464 = arith.addi %add3A_462, %add3A_463 : i32
      %dma_start3A_465 = arith.constant 0 : i32
      %dma_start3A_466 = arith.constant 0 : i32
      %dma_start3A_467 = tpu.memref_slice %arg9[%dma_start3A_465, %dma_start3A_466] : memref<64x129xf32, #tpu.memory_space<vmem>> -> memref<8x128xf32, #tpu.memory_space<vmem>>
      %dma_start3A_468 = arith.constant 0 : i32
      %dma_start3A_469 = tpu.memref_slice %arg5[%add3A_464, %dma_start3A_468] : memref<524288x128xf32, #tpu.memory_space<hbm>> -> memref<8x128xf32, #tpu.memory_space<hbm>>
      %dma_start3A_470 = arith.constant 0 : i32
      %dma_start3A_471 = tpu.memref_slice %arg5[%add3A_464, %dma_start3A_470] : memref<524288x128xf32, #tpu.memory_space<hbm>> -> memref<8x128xf32, #tpu.memory_space<hbm>>
      %dma_start3A_472 = arith.constant 0 : i32
      %dma_start3A_473 = arith.constant 0 : i32
      %dma_start3A_474 = tpu.memref_slice %arg9[%dma_start3A_472, %dma_start3A_473] : memref<64x129xf32, #tpu.memory_space<vmem>> -> memref<8x128xf32, #tpu.memory_space<vmem>>
      tpu.enqueue_dma source(%dma_start3A_474 : memref<8x128xf32, #tpu.memory_space<vmem>>) target(%dma_start3A_471 : memref<8x128xf32, #tpu.memory_space<hbm>>) target_semaphore(%arg14 : memref<!tpu.dma_semaphore, #tpu.memory_space<semaphore_mem>>)
      %add3A_475 = arith.constant 64 : i32
      %add3A_476 = arith.addi %add3A_460, %add3A_475 : i32
      %add3A_477 = arith.constant 0 : i32
      %add3A_478 = arith.addi %add3A_476, %add3A_477 : i32
      %dma_start3A_479 = arith.constant 8 : i32
      %dma_start3A_480 = arith.constant 0 : i32
      %dma_start3A_481 = tpu.memref_slice %arg9[%dma_start3A_479, %dma_start3A_480] : memref<64x129xf32, #tpu.memory_space<vmem>> -> memref<8x128xf32, #tpu.memory_space<vmem>>
      %dma_start3A_482 = arith.constant 0 : i32
      %dma_start3A_483 = tpu.memref_slice %arg5[%add3A_478, %dma_start3A_482] : memref<524288x128xf32, #tpu.memory_space<hbm>> -> memref<8x128xf32, #tpu.memory_space<hbm>>
      %dma_start3A_484 = arith.constant 0 : i32
      %dma_start3A_485 = tpu.memref_slice %arg5[%add3A_478, %dma_start3A_484] : memref<524288x128xf32, #tpu.memory_space<hbm>> -> memref<8x128xf32, #tpu.memory_space<hbm>>
      %dma_start3A_486 = arith.constant 8 : i32
      %dma_start3A_487 = arith.constant 0 : i32
      %dma_start3A_488 = tpu.memref_slice %arg9[%dma_start3A_486, %dma_start3A_487] : memref<64x129xf32, #tpu.memory_space<vmem>> -> memref<8x128xf32, #tpu.memory_space<vmem>>
      tpu.enqueue_dma source(%dma_start3A_488 : memref<8x128xf32, #tpu.memory_space<vmem>>) target(%dma_start3A_485 : memref<8x128xf32, #tpu.memory_space<hbm>>) target_semaphore(%arg14 : memref<!tpu.dma_semaphore, #tpu.memory_space<semaphore_mem>>)
      %add3A_489 = arith.constant 128 : i32
      %add3A_490 = arith.addi %add3A_460, %add3A_489 : i32
      %add3A_491 = arith.constant 0 : i32
      %add3A_492 = arith.addi %add3A_490, %add3A_491 : i32
      %dma_start3A_493 = arith.constant 16 : i32
      %dma_start3A_494 = arith.constant 0 : i32
      %dma_start3A_495 = tpu.memref_slice %arg9[%dma_start3A_493, %dma_start3A_494] : memref<64x129xf32, #tpu.memory_space<vmem>> -> memref<8x128xf32, #tpu.memory_space<vmem>>
      %dma_start3A_496 = arith.constant 0 : i32
      %dma_start3A_497 = tpu.memref_slice %arg5[%add3A_492, %dma_start3A_496] : memref<524288x128xf32, #tpu.memory_space<hbm>> -> memref<8x128xf32, #tpu.memory_space<hbm>>
      %dma_start3A_498 = arith.constant 0 : i32
      %dma_start3A_499 = tpu.memref_slice %arg5[%add3A_492, %dma_start3A_498] : memref<524288x128xf32, #tpu.memory_space<hbm>> -> memref<8x128xf32, #tpu.memory_space<hbm>>
      %dma_start3A_500 = arith.constant 16 : i32
      %dma_start3A_501 = arith.constant 0 : i32
      %dma_start3A_502 = tpu.memref_slice %arg9[%dma_start3A_500, %dma_start3A_501] : memref<64x129xf32, #tpu.memory_space<vmem>> -> memref<8x128xf32, #tpu.memory_space<vmem>>
      tpu.enqueue_dma source(%dma_start3A_502 : memref<8x128xf32, #tpu.memory_space<vmem>>) target(%dma_start3A_499 : memref<8x128xf32, #tpu.memory_space<hbm>>) target_semaphore(%arg14 : memref<!tpu.dma_semaphore, #tpu.memory_space<semaphore_mem>>)
      %add3A_503 = arith.constant 192 : i32
      %add3A_504 = arith.addi %add3A_460, %add3A_503 : i32
      %add3A_505 = arith.constant 0 : i32
      %add3A_506 = arith.addi %add3A_504, %add3A_505 : i32
      %dma_start3A_507 = arith.constant 24 : i32
      %dma_start3A_508 = arith.constant 0 : i32
      %dma_start3A_509 = tpu.memref_slice %arg9[%dma_start3A_507, %dma_start3A_508] : memref<64x129xf32, #tpu.memory_space<vmem>> -> memref<8x128xf32, #tpu.memory_space<vmem>>
      %dma_start3A_510 = arith.constant 0 : i32
      %dma_start3A_511 = tpu.memref_slice %arg5[%add3A_506, %dma_start3A_510] : memref<524288x128xf32, #tpu.memory_space<hbm>> -> memref<8x128xf32, #tpu.memory_space<hbm>>
      %dma_start3A_512 = arith.constant 0 : i32
      %dma_start3A_513 = tpu.memref_slice %arg5[%add3A_506, %dma_start3A_512] : memref<524288x128xf32, #tpu.memory_space<hbm>> -> memref<8x128xf32, #tpu.memory_space<hbm>>
      %dma_start3A_514 = arith.constant 24 : i32
      %dma_start3A_515 = arith.constant 0 : i32
      %dma_start3A_516 = tpu.memref_slice %arg9[%dma_start3A_514, %dma_start3A_515] : memref<64x129xf32, #tpu.memory_space<vmem>> -> memref<8x128xf32, #tpu.memory_space<vmem>>
      tpu.enqueue_dma source(%dma_start3A_516 : memref<8x128xf32, #tpu.memory_space<vmem>>) target(%dma_start3A_513 : memref<8x128xf32, #tpu.memory_space<hbm>>) target_semaphore(%arg14 : memref<!tpu.dma_semaphore, #tpu.memory_space<semaphore_mem>>)
      %add3A_517 = arith.constant 256 : i32
      %add3A_518 = arith.addi %add3A_460, %add3A_517 : i32
      %add3A_519 = arith.constant 0 : i32
      %add3A_520 = arith.addi %add3A_518, %add3A_519 : i32
      %dma_start3A_521 = arith.constant 32 : i32
      %dma_start3A_522 = arith.constant 0 : i32
      %dma_start3A_523 = tpu.memref_slice %arg9[%dma_start3A_521, %dma_start3A_522] : memref<64x129xf32, #tpu.memory_space<vmem>> -> memref<8x128xf32, #tpu.memory_space<vmem>>
      %dma_start3A_524 = arith.constant 0 : i32
      %dma_start3A_525 = tpu.memref_slice %arg5[%add3A_520, %dma_start3A_524] : memref<524288x128xf32, #tpu.memory_space<hbm>> -> memref<8x128xf32, #tpu.memory_space<hbm>>
      %dma_start3A_526 = arith.constant 0 : i32
      %dma_start3A_527 = tpu.memref_slice %arg5[%add3A_520, %dma_start3A_526] : memref<524288x128xf32, #tpu.memory_space<hbm>> -> memref<8x128xf32, #tpu.memory_space<hbm>>
      %dma_start3A_528 = arith.constant 32 : i32
      %dma_start3A_529 = arith.constant 0 : i32
      %dma_start3A_530 = tpu.memref_slice %arg9[%dma_start3A_528, %dma_start3A_529] : memref<64x129xf32, #tpu.memory_space<vmem>> -> memref<8x128xf32, #tpu.memory_space<vmem>>
      tpu.enqueue_dma source(%dma_start3A_530 : memref<8x128xf32, #tpu.memory_space<vmem>>) target(%dma_start3A_527 : memref<8x128xf32, #tpu.memory_space<hbm>>) target_semaphore(%arg14 : memref<!tpu.dma_semaphore, #tpu.memory_space<semaphore_mem>>)
      %add3A_531 = arith.constant 320 : i32
      %add3A_532 = arith.addi %add3A_460, %add3A_531 : i32
      %add3A_533 = arith.constant 0 : i32
      %add3A_534 = arith.addi %add3A_532, %add3A_533 : i32
      %dma_start3A_535 = arith.constant 40 : i32
      %dma_start3A_536 = arith.constant 0 : i32
      %dma_start3A_537 = tpu.memref_slice %arg9[%dma_start3A_535, %dma_start3A_536] : memref<64x129xf32, #tpu.memory_space<vmem>> -> memref<8x128xf32, #tpu.memory_space<vmem>>
      %dma_start3A_538 = arith.constant 0 : i32
      %dma_start3A_539 = tpu.memref_slice %arg5[%add3A_534, %dma_start3A_538] : memref<524288x128xf32, #tpu.memory_space<hbm>> -> memref<8x128xf32, #tpu.memory_space<hbm>>
      %dma_start3A_540 = arith.constant 0 : i32
      %dma_start3A_541 = tpu.memref_slice %arg5[%add3A_534, %dma_start3A_540] : memref<524288x128xf32, #tpu.memory_space<hbm>> -> memref<8x128xf32, #tpu.memory_space<hbm>>
      %dma_start3A_542 = arith.constant 40 : i32
      %dma_start3A_543 = arith.constant 0 : i32
      %dma_start3A_544 = tpu.memref_slice %arg9[%dma_start3A_542, %dma_start3A_543] : memref<64x129xf32, #tpu.memory_space<vmem>> -> memref<8x128xf32, #tpu.memory_space<vmem>>
      tpu.enqueue_dma source(%dma_start3A_544 : memref<8x128xf32, #tpu.memory_space<vmem>>) target(%dma_start3A_541 : memref<8x128xf32, #tpu.memory_space<hbm>>) target_semaphore(%arg14 : memref<!tpu.dma_semaphore, #tpu.memory_space<semaphore_mem>>)
      %add3A_545 = arith.constant 384 : i32
      %add3A_546 = arith.addi %add3A_460, %add3A_545 : i32
      %add3A_547 = arith.constant 0 : i32
      %add3A_548 = arith.addi %add3A_546, %add3A_547 : i32
      %dma_start3A_549 = arith.constant 48 : i32
      %dma_start3A_550 = arith.constant 0 : i32
      %dma_start3A_551 = tpu.memref_slice %arg9[%dma_start3A_549, %dma_start3A_550] : memref<64x129xf32, #tpu.memory_space<vmem>> -> memref<8x128xf32, #tpu.memory_space<vmem>>
      %dma_start3A_552 = arith.constant 0 : i32
      %dma_start3A_553 = tpu.memref_slice %arg5[%add3A_548, %dma_start3A_552] : memref<524288x128xf32, #tpu.memory_space<hbm>> -> memref<8x128xf32, #tpu.memory_space<hbm>>
      %dma_start3A_554 = arith.constant 0 : i32
      %dma_start3A_555 = tpu.memref_slice %arg5[%add3A_548, %dma_start3A_554] : memref<524288x128xf32, #tpu.memory_space<hbm>> -> memref<8x128xf32, #tpu.memory_space<hbm>>
      %dma_start3A_556 = arith.constant 48 : i32
      %dma_start3A_557 = arith.constant 0 : i32
      %dma_start3A_558 = tpu.memref_slice %arg9[%dma_start3A_556, %dma_start3A_557] : memref<64x129xf32, #tpu.memory_space<vmem>> -> memref<8x128xf32, #tpu.memory_space<vmem>>
      tpu.enqueue_dma source(%dma_start3A_558 : memref<8x128xf32, #tpu.memory_space<vmem>>) target(%dma_start3A_555 : memref<8x128xf32, #tpu.memory_space<hbm>>) target_semaphore(%arg14 : memref<!tpu.dma_semaphore, #tpu.memory_space<semaphore_mem>>)
      %add3A_559 = arith.constant 448 : i32
      %add3A_560 = arith.addi %add3A_460, %add3A_559 : i32
      %add3A_561 = arith.constant 0 : i32
      %add3A_562 = arith.addi %add3A_560, %add3A_561 : i32
      %dma_start3A_563 = arith.constant 56 : i32
      %dma_start3A_564 = arith.constant 0 : i32
      %dma_start3A_565 = tpu.memref_slice %arg9[%dma_start3A_563, %dma_start3A_564] : memref<64x129xf32, #tpu.memory_space<vmem>> -> memref<8x128xf32, #tpu.memory_space<vmem>>
      %dma_start3A_566 = arith.constant 0 : i32
      %dma_start3A_567 = tpu.memref_slice %arg5[%add3A_562, %dma_start3A_566] : memref<524288x128xf32, #tpu.memory_space<hbm>> -> memref<8x128xf32, #tpu.memory_space<hbm>>
      %dma_start3A_568 = arith.constant 0 : i32
      %dma_start3A_569 = tpu.memref_slice %arg5[%add3A_562, %dma_start3A_568] : memref<524288x128xf32, #tpu.memory_space<hbm>> -> memref<8x128xf32, #tpu.memory_space<hbm>>
      %dma_start3A_570 = arith.constant 56 : i32
      %dma_start3A_571 = arith.constant 0 : i32
      %dma_start3A_572 = tpu.memref_slice %arg9[%dma_start3A_570, %dma_start3A_571] : memref<64x129xf32, #tpu.memory_space<vmem>> -> memref<8x128xf32, #tpu.memory_space<vmem>>
      tpu.enqueue_dma source(%dma_start3A_572 : memref<8x128xf32, #tpu.memory_space<vmem>>) target(%dma_start3A_569 : memref<8x128xf32, #tpu.memory_space<hbm>>) target_semaphore(%arg14 : memref<!tpu.dma_semaphore, #tpu.memory_space<semaphore_mem>>)
      %lt3A = arith.constant 127 : i32
      %lt3A_573 = arith.cmpi slt, %scan3A_362, %lt3A : i32
      %convert_element_type3A_574 = arith.extui %lt3A_573 : i1 to i32
      %cond3A_575 = arith.constant 0 : i32
      %cond3A_576 = arith.cmpi ne, %convert_element_type3A_574, %cond3A_575 : i32
      scf.if %cond3A_576 {
        %add3A_775 = arith.constant 2 : i32
        %add3A_776 = arith.addi %mul3A_364, %add3A_775 : i32
        %mul3A_777 = arith.constant 128 : i32
        %mul3A_778 = arith.muli %add3A_776, %mul3A_777 : i32
        %add3A_779 = arith.addi %mul3A_2, %mul3A_778 : i32
        %run_scoped3A_780 = arith.constant 0 : i32
        "tpu.region"() ({
          %run_scoped3A_793 = tpu.sem_alloc : memref<!tpu.dma_semaphore, #tpu.memory_space<semaphore_mem>>
          %dma_start3A_794 = arith.constant 0 : i32
          %dma_start3A_795 = tpu.memref_slice %arg6[%run_scoped3A_780, %dma_start3A_794] : memref<2x128xi32, #tpu.memory_space<vmem>> -> memref<1x128xi32, #tpu.memory_space<vmem>>
          %dma_start3A_796 = tpu.memref_squeeze %dma_start3A_795 : memref<1x128xi32, #tpu.memory_space<vmem>> -> memref<128xi32, #tpu.memory_space<vmem>>
          %dma_start3A_797 = tpu.memref_slice %arg2[%add3A_779] : memref<1048576xi32, #tpu.memory_space<hbm>> -> memref<128xi32, #tpu.memory_space<hbm>>
          %dma_start3A_798 = arith.constant 0 : i32
          %dma_start3A_799 = tpu.memref_slice %arg6[%run_scoped3A_780, %dma_start3A_798] : memref<2x128xi32, #tpu.memory_space<vmem>> -> memref<1x128xi32, #tpu.memory_space<vmem>>
          %dma_start3A_800 = tpu.memref_squeeze %dma_start3A_799 : memref<1x128xi32, #tpu.memory_space<vmem>> -> memref<128xi32, #tpu.memory_space<vmem>>
          %dma_start3A_801 = tpu.memref_slice %arg2[%add3A_779] : memref<1048576xi32, #tpu.memory_space<hbm>> -> memref<128xi32, #tpu.memory_space<hbm>>
          tpu.enqueue_dma source(%dma_start3A_801 : memref<128xi32, #tpu.memory_space<hbm>>) target(%dma_start3A_800 : memref<128xi32, #tpu.memory_space<vmem>>) target_semaphore(%run_scoped3A_793 : memref<!tpu.dma_semaphore, #tpu.memory_space<semaphore_mem>>)
          %dma_wait3A_802 = arith.constant 0 : i32
          %dma_wait3A_803 = tpu.memref_slice %arg6[%run_scoped3A_780, %dma_wait3A_802] : memref<2x128xi32, #tpu.memory_space<vmem>> -> memref<1x128xi32, #tpu.memory_space<vmem>>
          %dma_wait3A_804 = tpu.memref_squeeze %dma_wait3A_803 : memref<1x128xi32, #tpu.memory_space<vmem>> -> memref<128xi32, #tpu.memory_space<vmem>>
          %dma_wait3A_805 = tpu.memref_slice %arg2[%add3A_779] : memref<1048576xi32, #tpu.memory_space<hbm>> -> memref<128xi32, #tpu.memory_space<hbm>>
          %dma_wait3A_806 = arith.constant 0 : i32
          %dma_wait3A_807 = tpu.memref_slice %arg6[%run_scoped3A_780, %dma_wait3A_806] : memref<2x128xi32, #tpu.memory_space<vmem>> -> memref<1x128xi32, #tpu.memory_space<vmem>>
          %dma_wait3A_808 = tpu.memref_squeeze %dma_wait3A_807 : memref<1x128xi32, #tpu.memory_space<vmem>> -> memref<128xi32, #tpu.memory_space<vmem>>
          %dma_wait3A_809 = tpu.memref_slice %arg2[%add3A_779] : memref<1048576xi32, #tpu.memory_space<hbm>> -> memref<128xi32, #tpu.memory_space<hbm>>
          tpu.wait_dma2 semaphore(%run_scoped3A_793 : memref<!tpu.dma_semaphore, #tpu.memory_space<semaphore_mem>>) src(%dma_wait3A_809 : memref<128xi32, #tpu.memory_space<hbm>>) dst(%dma_wait3A_808 : memref<128xi32, #tpu.memory_space<vmem>>)
          tpu.yield
        }) : () -> ()
        %dma_start3A_781 = arith.constant 0 : i32
        %dma_start3A_782 = arith.constant 0 : i32
        %dma_start3A_783 = arith.constant 0 : i32
        %dma_start3A_784 = tpu.memref_slice %arg7[%dma_start3A_782, %dma_start3A_783] : memref<128x64xf32, #tpu.memory_space<vmem>> -> memref<128x64xf32, #tpu.memory_space<vmem>>
        %dma_start3A_785 = arith.constant 0 : i32
        %dma_start3A_786 = tpu.memref_slice %arg6[%dma_start3A_781, %dma_start3A_785] : memref<2x128xi32, #tpu.memory_space<vmem>> -> memref<1x128xi32, #tpu.memory_space<vmem>>
        %dma_start3A_787 = tpu.memref_squeeze %dma_start3A_786 : memref<1x128xi32, #tpu.memory_space<vmem>> -> memref<128xi32, #tpu.memory_space<vmem>>
        %dma_start3A_788 = arith.constant 0 : i32
        %dma_start3A_789 = tpu.memref_slice %dma_start3A_787[%dma_start3A_788] : memref<128xi32, #tpu.memory_space<vmem>> -> memref<128xi32, #tpu.memory_space<vmem>>
        %dma_start3A_790 = arith.constant 0 : i32
        %dma_start3A_791 = arith.constant 0 : i32
        %dma_start3A_792 = tpu.memref_slice %arg4[%dma_start3A_790, %dma_start3A_791] : memref<100000x64xf32, #tpu.memory_space<hbm>> -> memref<100000x64xf32, #tpu.memory_space<hbm>>
        tpu.enqueue_indirect_dma source(%dma_start3A_792 : memref<100000x64xf32, #tpu.memory_space<hbm>>) target(%dma_start3A_784 : memref<128x64xf32, #tpu.memory_space<vmem>>) offsets(%dma_start3A_789 : memref<128xi32, #tpu.memory_space<vmem>>) semaphore(%arg12 : memref<!tpu.dma_semaphore, #tpu.memory_space<semaphore_mem>>)
      } else {
      }
      %dma_wait3A_577 = arith.constant 1 : i32
      %dma_wait3A_578 = arith.constant 0 : i32
      %dma_wait3A_579 = arith.constant 0 : i32
      %dma_wait3A_580 = tpu.memref_slice %arg8[%dma_wait3A_578, %dma_wait3A_579] : memref<128x64xf32, #tpu.memory_space<vmem>> -> memref<128x64xf32, #tpu.memory_space<vmem>>
      %dma_wait3A_581 = arith.constant 0 : i32
      %dma_wait3A_582 = tpu.memref_slice %arg6[%dma_wait3A_577, %dma_wait3A_581] : memref<2x128xi32, #tpu.memory_space<vmem>> -> memref<1x128xi32, #tpu.memory_space<vmem>>
      %dma_wait3A_583 = tpu.memref_squeeze %dma_wait3A_582 : memref<1x128xi32, #tpu.memory_space<vmem>> -> memref<128xi32, #tpu.memory_space<vmem>>
      %dma_wait3A_584 = arith.constant 0 : i32
      %dma_wait3A_585 = tpu.memref_slice %dma_wait3A_583[%dma_wait3A_584] : memref<128xi32, #tpu.memory_space<vmem>> -> memref<128xi32, #tpu.memory_space<vmem>>
      %dma_wait3A_586 = arith.constant 0 : i32
      %dma_wait3A_587 = arith.constant 0 : i32
      %dma_wait3A_588 = tpu.memref_slice %arg4[%dma_wait3A_586, %dma_wait3A_587] : memref<100000x64xf32, #tpu.memory_space<hbm>> -> memref<100000x64xf32, #tpu.memory_space<hbm>>
      tpu.wait_indirect_dma semaphore(%arg13 : memref<!tpu.dma_semaphore, #tpu.memory_space<semaphore_mem>>) src(%dma_wait3A_588 : memref<100000x64xf32, #tpu.memory_space<hbm>>) dst(%dma_wait3A_580 : memref<128x64xf32, #tpu.memory_space<vmem>>)
      %gt3A_589 = arith.constant 0 : i32
      %gt3A_590 = arith.cmpi sgt, %scan3A_362, %gt3A_589 : i32
      %convert_element_type3A_591 = arith.extui %gt3A_590 : i1 to i32
      %cond3A_592 = arith.constant 0 : i32
      %cond3A_593 = arith.cmpi ne, %convert_element_type3A_591, %cond3A_592 : i32
      scf.if %cond3A_593 {
        %sub3A_775 = arith.constant 1 : i32
        %sub3A_776 = arith.subi %mul3A_364, %sub3A_775 : i32
        %mul3A_777 = arith.constant 128 : i32
        %mul3A_778 = arith.muli %sub3A_776, %mul3A_777 : i32
        %add3A_779 = arith.addi %mul3A_2, %mul3A_778 : i32
        %jit3A_780 = arith.constant 1024 : i32
        %div3A_781 = arith.divsi %add3A_779, %jit3A_780 : i32
        %sign3A_782 = arith.constant 0 : i32
        %sign3A_783 = arith.cmpi sgt, %add3A_779, %sign3A_782 : i32
        %sign3A_784 = arith.extui %sign3A_783 : i1 to i32
        %sign3A_785 = arith.constant 0 : i32
        %sign3A_786 = arith.cmpi slt, %add3A_779, %sign3A_785 : i32
        %sign3A_787 = arith.extui %sign3A_786 : i1 to i32
        %sign3A_788 = arith.subi %sign3A_784, %sign3A_787 : i32
        %sign3A_789 = arith.constant 0 : i32
        %sign3A_790 = arith.cmpi sgt, %jit3A_780, %sign3A_789 : i32
        %sign3A_791 = arith.extui %sign3A_790 : i1 to i32
        %sign3A_792 = arith.constant 0 : i32
        %sign3A_793 = arith.cmpi slt, %jit3A_780, %sign3A_792 : i32
        %sign3A_794 = arith.extui %sign3A_793 : i1 to i32
        %sign3A_795 = arith.subi %sign3A_791, %sign3A_794 : i32
        %ne3A_796 = arith.cmpi ne, %sign3A_788, %sign3A_795 : i32
        %rem3A_797 = arith.remsi %add3A_779, %jit3A_780 : i32
        %ne3A_798 = arith.constant 0 : i32
        %ne3A_799 = arith.cmpi ne, %rem3A_797, %ne3A_798 : i32
        %and3A_800 = arith.andi %ne3A_796, %ne3A_799 : i1
        %sub3A_801 = arith.constant 1 : i32
        %sub3A_802 = arith.subi %div3A_781, %sub3A_801 : i32
        %select_n3A_803 = arith.select %and3A_800, %sub3A_802, %div3A_781 : i32
        %rem3A_804 = arith.constant 1024 : i32
        %rem3A_805 = arith.remsi %add3A_779, %rem3A_804 : i32
        %jit3A_806 = arith.constant 128 : i32
        %div3A_807 = arith.divsi %rem3A_805, %jit3A_806 : i32
        %sign3A_808 = arith.constant 0 : i32
        %sign3A_809 = arith.cmpi sgt, %rem3A_805, %sign3A_808 : i32
        %sign3A_810 = arith.extui %sign3A_809 : i1 to i32
        %sign3A_811 = arith.constant 0 : i32
        %sign3A_812 = arith.cmpi slt, %rem3A_805, %sign3A_811 : i32
        %sign3A_813 = arith.extui %sign3A_812 : i1 to i32
        %sign3A_814 = arith.subi %sign3A_810, %sign3A_813 : i32
        %sign3A_815 = arith.constant 0 : i32
        %sign3A_816 = arith.cmpi sgt, %jit3A_806, %sign3A_815 : i32
        %sign3A_817 = arith.extui %sign3A_816 : i1 to i32
        %sign3A_818 = arith.constant 0 : i32
        %sign3A_819 = arith.cmpi slt, %jit3A_806, %sign3A_818 : i32
        %sign3A_820 = arith.extui %sign3A_819 : i1 to i32
        %sign3A_821 = arith.subi %sign3A_817, %sign3A_820 : i32
        %ne3A_822 = arith.cmpi ne, %sign3A_814, %sign3A_821 : i32
        %rem3A_823 = arith.remsi %rem3A_805, %jit3A_806 : i32
        %ne3A_824 = arith.constant 0 : i32
        %ne3A_825 = arith.cmpi ne, %rem3A_823, %ne3A_824 : i32
        %and3A_826 = arith.andi %ne3A_822, %ne3A_825 : i1
        %sub3A_827 = arith.constant 1 : i32
        %sub3A_828 = arith.subi %div3A_807, %sub3A_827 : i32
        %select_n3A_829 = arith.select %and3A_826, %sub3A_828, %div3A_807 : i32
        %mul3A_830 = arith.constant 512 : i32
        %mul3A_831 = arith.muli %select_n3A_803, %mul3A_830 : i32
        %mul3A_832 = arith.constant 8 : i32
        %mul3A_833 = arith.muli %select_n3A_829, %mul3A_832 : i32
        %add3A_834 = arith.addi %mul3A_831, %mul3A_833 : i32
        %add3A_835 = arith.constant 0 : i32
        %add3A_836 = arith.addi %add3A_834, %add3A_835 : i32
        %add3A_837 = arith.constant 0 : i32
        %add3A_838 = arith.addi %add3A_836, %add3A_837 : i32
        %dma_wait3A_839 = arith.constant 0 : i32
        %dma_wait3A_840 = arith.constant 0 : i32
        %dma_wait3A_841 = tpu.memref_slice %arg10[%dma_wait3A_839, %dma_wait3A_840] : memref<64x129xf32, #tpu.memory_space<vmem>> -> memref<8x128xf32, #tpu.memory_space<vmem>>
        %dma_wait3A_842 = arith.constant 0 : i32
        %dma_wait3A_843 = tpu.memref_slice %arg5[%add3A_838, %dma_wait3A_842] : memref<524288x128xf32, #tpu.memory_space<hbm>> -> memref<8x128xf32, #tpu.memory_space<hbm>>
        %dma_wait3A_844 = arith.constant 0 : i32
        %dma_wait3A_845 = tpu.memref_slice %arg5[%add3A_838, %dma_wait3A_844] : memref<524288x128xf32, #tpu.memory_space<hbm>> -> memref<8x128xf32, #tpu.memory_space<hbm>>
        %dma_wait3A_846 = arith.constant 0 : i32
        %dma_wait3A_847 = arith.constant 0 : i32
        %dma_wait3A_848 = tpu.memref_slice %arg10[%dma_wait3A_846, %dma_wait3A_847] : memref<64x129xf32, #tpu.memory_space<vmem>> -> memref<8x128xf32, #tpu.memory_space<vmem>>
        tpu.wait_dma2 semaphore(%arg15 : memref<!tpu.dma_semaphore, #tpu.memory_space<semaphore_mem>>) src(%dma_wait3A_848 : memref<8x128xf32, #tpu.memory_space<vmem>>) dst(%dma_wait3A_845 : memref<8x128xf32, #tpu.memory_space<hbm>>)
        %add3A_849 = arith.constant 64 : i32
        %add3A_850 = arith.addi %add3A_834, %add3A_849 : i32
        %add3A_851 = arith.constant 0 : i32
        %add3A_852 = arith.addi %add3A_850, %add3A_851 : i32
        %dma_wait3A_853 = arith.constant 8 : i32
        %dma_wait3A_854 = arith.constant 0 : i32
        %dma_wait3A_855 = tpu.memref_slice %arg10[%dma_wait3A_853, %dma_wait3A_854] : memref<64x129xf32, #tpu.memory_space<vmem>> -> memref<8x128xf32, #tpu.memory_space<vmem>>
        %dma_wait3A_856 = arith.constant 0 : i32
        %dma_wait3A_857 = tpu.memref_slice %arg5[%add3A_852, %dma_wait3A_856] : memref<524288x128xf32, #tpu.memory_space<hbm>> -> memref<8x128xf32, #tpu.memory_space<hbm>>
        %dma_wait3A_858 = arith.constant 0 : i32
        %dma_wait3A_859 = tpu.memref_slice %arg5[%add3A_852, %dma_wait3A_858] : memref<524288x128xf32, #tpu.memory_space<hbm>> -> memref<8x128xf32, #tpu.memory_space<hbm>>
        %dma_wait3A_860 = arith.constant 8 : i32
        %dma_wait3A_861 = arith.constant 0 : i32
        %dma_wait3A_862 = tpu.memref_slice %arg10[%dma_wait3A_860, %dma_wait3A_861] : memref<64x129xf32, #tpu.memory_space<vmem>> -> memref<8x128xf32, #tpu.memory_space<vmem>>
        tpu.wait_dma2 semaphore(%arg15 : memref<!tpu.dma_semaphore, #tpu.memory_space<semaphore_mem>>) src(%dma_wait3A_862 : memref<8x128xf32, #tpu.memory_space<vmem>>) dst(%dma_wait3A_859 : memref<8x128xf32, #tpu.memory_space<hbm>>)
        %add3A_863 = arith.constant 128 : i32
        %add3A_864 = arith.addi %add3A_834, %add3A_863 : i32
        %add3A_865 = arith.constant 0 : i32
        %add3A_866 = arith.addi %add3A_864, %add3A_865 : i32
        %dma_wait3A_867 = arith.constant 16 : i32
        %dma_wait3A_868 = arith.constant 0 : i32
        %dma_wait3A_869 = tpu.memref_slice %arg10[%dma_wait3A_867, %dma_wait3A_868] : memref<64x129xf32, #tpu.memory_space<vmem>> -> memref<8x128xf32, #tpu.memory_space<vmem>>
        %dma_wait3A_870 = arith.constant 0 : i32
        %dma_wait3A_871 = tpu.memref_slice %arg5[%add3A_866, %dma_wait3A_870] : memref<524288x128xf32, #tpu.memory_space<hbm>> -> memref<8x128xf32, #tpu.memory_space<hbm>>
        %dma_wait3A_872 = arith.constant 0 : i32
        %dma_wait3A_873 = tpu.memref_slice %arg5[%add3A_866, %dma_wait3A_872] : memref<524288x128xf32, #tpu.memory_space<hbm>> -> memref<8x128xf32, #tpu.memory_space<hbm>>
        %dma_wait3A_874 = arith.constant 16 : i32
        %dma_wait3A_875 = arith.constant 0 : i32
        %dma_wait3A_876 = tpu.memref_slice %arg10[%dma_wait3A_874, %dma_wait3A_875] : memref<64x129xf32, #tpu.memory_space<vmem>> -> memref<8x128xf32, #tpu.memory_space<vmem>>
        tpu.wait_dma2 semaphore(%arg15 : memref<!tpu.dma_semaphore, #tpu.memory_space<semaphore_mem>>) src(%dma_wait3A_876 : memref<8x128xf32, #tpu.memory_space<vmem>>) dst(%dma_wait3A_873 : memref<8x128xf32, #tpu.memory_space<hbm>>)
        %add3A_877 = arith.constant 192 : i32
        %add3A_878 = arith.addi %add3A_834, %add3A_877 : i32
        %add3A_879 = arith.constant 0 : i32
        %add3A_880 = arith.addi %add3A_878, %add3A_879 : i32
        %dma_wait3A_881 = arith.constant 24 : i32
        %dma_wait3A_882 = arith.constant 0 : i32
        %dma_wait3A_883 = tpu.memref_slice %arg10[%dma_wait3A_881, %dma_wait3A_882] : memref<64x129xf32, #tpu.memory_space<vmem>> -> memref<8x128xf32, #tpu.memory_space<vmem>>
        %dma_wait3A_884 = arith.constant 0 : i32
        %dma_wait3A_885 = tpu.memref_slice %arg5[%add3A_880, %dma_wait3A_884] : memref<524288x128xf32, #tpu.memory_space<hbm>> -> memref<8x128xf32, #tpu.memory_space<hbm>>
        %dma_wait3A_886 = arith.constant 0 : i32
        %dma_wait3A_887 = tpu.memref_slice %arg5[%add3A_880, %dma_wait3A_886] : memref<524288x128xf32, #tpu.memory_space<hbm>> -> memref<8x128xf32, #tpu.memory_space<hbm>>
        %dma_wait3A_888 = arith.constant 24 : i32
        %dma_wait3A_889 = arith.constant 0 : i32
        %dma_wait3A_890 = tpu.memref_slice %arg10[%dma_wait3A_888, %dma_wait3A_889] : memref<64x129xf32, #tpu.memory_space<vmem>> -> memref<8x128xf32, #tpu.memory_space<vmem>>
        tpu.wait_dma2 semaphore(%arg15 : memref<!tpu.dma_semaphore, #tpu.memory_space<semaphore_mem>>) src(%dma_wait3A_890 : memref<8x128xf32, #tpu.memory_space<vmem>>) dst(%dma_wait3A_887 : memref<8x128xf32, #tpu.memory_space<hbm>>)
        %add3A_891 = arith.constant 256 : i32
        %add3A_892 = arith.addi %add3A_834, %add3A_891 : i32
        %add3A_893 = arith.constant 0 : i32
        %add3A_894 = arith.addi %add3A_892, %add3A_893 : i32
        %dma_wait3A_895 = arith.constant 32 : i32
        %dma_wait3A_896 = arith.constant 0 : i32
        %dma_wait3A_897 = tpu.memref_slice %arg10[%dma_wait3A_895, %dma_wait3A_896] : memref<64x129xf32, #tpu.memory_space<vmem>> -> memref<8x128xf32, #tpu.memory_space<vmem>>
        %dma_wait3A_898 = arith.constant 0 : i32
        %dma_wait3A_899 = tpu.memref_slice %arg5[%add3A_894, %dma_wait3A_898] : memref<524288x128xf32, #tpu.memory_space<hbm>> -> memref<8x128xf32, #tpu.memory_space<hbm>>
        %dma_wait3A_900 = arith.constant 0 : i32
        %dma_wait3A_901 = tpu.memref_slice %arg5[%add3A_894, %dma_wait3A_900] : memref<524288x128xf32, #tpu.memory_space<hbm>> -> memref<8x128xf32, #tpu.memory_space<hbm>>
        %dma_wait3A_902 = arith.constant 32 : i32
        %dma_wait3A_903 = arith.constant 0 : i32
        %dma_wait3A_904 = tpu.memref_slice %arg10[%dma_wait3A_902, %dma_wait3A_903] : memref<64x129xf32, #tpu.memory_space<vmem>> -> memref<8x128xf32, #tpu.memory_space<vmem>>
        tpu.wait_dma2 semaphore(%arg15 : memref<!tpu.dma_semaphore, #tpu.memory_space<semaphore_mem>>) src(%dma_wait3A_904 : memref<8x128xf32, #tpu.memory_space<vmem>>) dst(%dma_wait3A_901 : memref<8x128xf32, #tpu.memory_space<hbm>>)
        %add3A_905 = arith.constant 320 : i32
        %add3A_906 = arith.addi %add3A_834, %add3A_905 : i32
        %add3A_907 = arith.constant 0 : i32
        %add3A_908 = arith.addi %add3A_906, %add3A_907 : i32
        %dma_wait3A_909 = arith.constant 40 : i32
        %dma_wait3A_910 = arith.constant 0 : i32
        %dma_wait3A_911 = tpu.memref_slice %arg10[%dma_wait3A_909, %dma_wait3A_910] : memref<64x129xf32, #tpu.memory_space<vmem>> -> memref<8x128xf32, #tpu.memory_space<vmem>>
        %dma_wait3A_912 = arith.constant 0 : i32
        %dma_wait3A_913 = tpu.memref_slice %arg5[%add3A_908, %dma_wait3A_912] : memref<524288x128xf32, #tpu.memory_space<hbm>> -> memref<8x128xf32, #tpu.memory_space<hbm>>
        %dma_wait3A_914 = arith.constant 0 : i32
        %dma_wait3A_915 = tpu.memref_slice %arg5[%add3A_908, %dma_wait3A_914] : memref<524288x128xf32, #tpu.memory_space<hbm>> -> memref<8x128xf32, #tpu.memory_space<hbm>>
        %dma_wait3A_916 = arith.constant 40 : i32
        %dma_wait3A_917 = arith.constant 0 : i32
        %dma_wait3A_918 = tpu.memref_slice %arg10[%dma_wait3A_916, %dma_wait3A_917] : memref<64x129xf32, #tpu.memory_space<vmem>> -> memref<8x128xf32, #tpu.memory_space<vmem>>
        tpu.wait_dma2 semaphore(%arg15 : memref<!tpu.dma_semaphore, #tpu.memory_space<semaphore_mem>>) src(%dma_wait3A_918 : memref<8x128xf32, #tpu.memory_space<vmem>>) dst(%dma_wait3A_915 : memref<8x128xf32, #tpu.memory_space<hbm>>)
        %add3A_919 = arith.constant 384 : i32
        %add3A_920 = arith.addi %add3A_834, %add3A_919 : i32
        %add3A_921 = arith.constant 0 : i32
        %add3A_922 = arith.addi %add3A_920, %add3A_921 : i32
        %dma_wait3A_923 = arith.constant 48 : i32
        %dma_wait3A_924 = arith.constant 0 : i32
        %dma_wait3A_925 = tpu.memref_slice %arg10[%dma_wait3A_923, %dma_wait3A_924] : memref<64x129xf32, #tpu.memory_space<vmem>> -> memref<8x128xf32, #tpu.memory_space<vmem>>
        %dma_wait3A_926 = arith.constant 0 : i32
        %dma_wait3A_927 = tpu.memref_slice %arg5[%add3A_922, %dma_wait3A_926] : memref<524288x128xf32, #tpu.memory_space<hbm>> -> memref<8x128xf32, #tpu.memory_space<hbm>>
        %dma_wait3A_928 = arith.constant 0 : i32
        %dma_wait3A_929 = tpu.memref_slice %arg5[%add3A_922, %dma_wait3A_928] : memref<524288x128xf32, #tpu.memory_space<hbm>> -> memref<8x128xf32, #tpu.memory_space<hbm>>
        %dma_wait3A_930 = arith.constant 48 : i32
        %dma_wait3A_931 = arith.constant 0 : i32
        %dma_wait3A_932 = tpu.memref_slice %arg10[%dma_wait3A_930, %dma_wait3A_931] : memref<64x129xf32, #tpu.memory_space<vmem>> -> memref<8x128xf32, #tpu.memory_space<vmem>>
        tpu.wait_dma2 semaphore(%arg15 : memref<!tpu.dma_semaphore, #tpu.memory_space<semaphore_mem>>) src(%dma_wait3A_932 : memref<8x128xf32, #tpu.memory_space<vmem>>) dst(%dma_wait3A_929 : memref<8x128xf32, #tpu.memory_space<hbm>>)
        %add3A_933 = arith.constant 448 : i32
        %add3A_934 = arith.addi %add3A_834, %add3A_933 : i32
        %add3A_935 = arith.constant 0 : i32
        %add3A_936 = arith.addi %add3A_934, %add3A_935 : i32
        %dma_wait3A_937 = arith.constant 56 : i32
        %dma_wait3A_938 = arith.constant 0 : i32
        %dma_wait3A_939 = tpu.memref_slice %arg10[%dma_wait3A_937, %dma_wait3A_938] : memref<64x129xf32, #tpu.memory_space<vmem>> -> memref<8x128xf32, #tpu.memory_space<vmem>>
        %dma_wait3A_940 = arith.constant 0 : i32
        %dma_wait3A_941 = tpu.memref_slice %arg5[%add3A_936, %dma_wait3A_940] : memref<524288x128xf32, #tpu.memory_space<hbm>> -> memref<8x128xf32, #tpu.memory_space<hbm>>
        %dma_wait3A_942 = arith.constant 0 : i32
        %dma_wait3A_943 = tpu.memref_slice %arg5[%add3A_936, %dma_wait3A_942] : memref<524288x128xf32, #tpu.memory_space<hbm>> -> memref<8x128xf32, #tpu.memory_space<hbm>>
        %dma_wait3A_944 = arith.constant 56 : i32
        %dma_wait3A_945 = arith.constant 0 : i32
        %dma_wait3A_946 = tpu.memref_slice %arg10[%dma_wait3A_944, %dma_wait3A_945] : memref<64x129xf32, #tpu.memory_space<vmem>> -> memref<8x128xf32, #tpu.memory_space<vmem>>
        tpu.wait_dma2 semaphore(%arg15 : memref<!tpu.dma_semaphore, #tpu.memory_space<semaphore_mem>>) src(%dma_wait3A_946 : memref<8x128xf32, #tpu.memory_space<vmem>>) dst(%dma_wait3A_943 : memref<8x128xf32, #tpu.memory_space<hbm>>)
      } else {
      }
      %add3A_594 = arith.constant 1 : i32
      %add3A_595 = arith.addi %mul3A_364, %add3A_594 : i32
      %rem3A_596 = arith.constant 8 : i32
      %rem3A_597 = arith.remsi %add3A_595, %rem3A_596 : i32
      %mul3A_598 = arith.constant 128 : i32
      %mul3A_599 = arith.muli %rem3A_597, %mul3A_598 : i32
      %parallel_loop3A_600 = arith.constant 0 : i32
      %parallel_loop3A_601 = arith.constant 128 : i32
      %parallel_loop3A_602 = arith.constant 1 : i32
      scf.for %parallel_loop3A_775 = %parallel_loop3A_600 to %parallel_loop3A_601 step %parallel_loop3A_602  : i32 {
        %parallel_loop3A_776 = vector.broadcast %parallel_loop3A_775 : i32 to vector<16xi32>
        %parallel_loop3A_777 = arith.index_cast %parallel_loop3A_775 : i32 to index
        %parallel_loop3A_778 = arith.constant 0 : index
        %parallel_loop3A_779 = tpu.vector_load %arg8[%parallel_loop3A_777, %parallel_loop3A_778] {strides = array<i32>} : memref<128x64xf32, #tpu.memory_space<vmem>>, vector<16xf32>,
        %parallel_loop3A_780 = arith.addi %mul3A_599, %parallel_loop3A_775 : i32
        %parallel_loop3A_781 = arith.index_cast %parallel_loop3A_780 : i32 to index
        %parallel_loop3A_782 = arith.constant 0 : index
        %parallel_loop3A_783 = tpu.vector_load %arg11[%parallel_loop3A_781, %parallel_loop3A_782] {strides = array<i32>} : memref<1024x64xf32, #tpu.memory_space<vmem>>, vector<16xf32>,
        %parallel_loop3A_784 = arith.addf %parallel_loop3A_779, %parallel_loop3A_783 : vector<16xf32>
        tpu.vector_store_idx %arg10[%add3A_5, %parallel_loop3A_776], %parallel_loop3A_784 : memref<64x129xf32, #tpu.memory_space<vmem>>[vector<16xi32>, vector<16xi32>], vector<16xf32>,
        %parallel_loop3A_785 = arith.index_cast %parallel_loop3A_775 : i32 to index
        %parallel_loop3A_786 = arith.constant 16 : index
        %parallel_loop3A_787 = tpu.vector_load %arg8[%parallel_loop3A_785, %parallel_loop3A_786] {strides = array<i32>} : memref<128x64xf32, #tpu.memory_space<vmem>>, vector<16xf32>,
        %parallel_loop3A_788 = arith.addi %mul3A_599, %parallel_loop3A_775 : i32
        %parallel_loop3A_789 = arith.index_cast %parallel_loop3A_788 : i32 to index
        %parallel_loop3A_790 = arith.constant 16 : index
        %parallel_loop3A_791 = tpu.vector_load %arg11[%parallel_loop3A_789, %parallel_loop3A_790] {strides = array<i32>} : memref<1024x64xf32, #tpu.memory_space<vmem>>, vector<16xf32>,
        %parallel_loop3A_792 = arith.addf %parallel_loop3A_787, %parallel_loop3A_791 : vector<16xf32>
        tpu.vector_store_idx %arg10[%add3A_8, %parallel_loop3A_776], %parallel_loop3A_792 : memref<64x129xf32, #tpu.memory_space<vmem>>[vector<16xi32>, vector<16xi32>], vector<16xf32>,
        %parallel_loop3A_793 = arith.index_cast %parallel_loop3A_775 : i32 to index
        %parallel_loop3A_794 = arith.constant 32 : index
        %parallel_loop3A_795 = tpu.vector_load %arg8[%parallel_loop3A_793, %parallel_loop3A_794] {strides = array<i32>} : memref<128x64xf32, #tpu.memory_space<vmem>>, vector<16xf32>,
        %parallel_loop3A_796 = arith.addi %mul3A_599, %parallel_loop3A_775 : i32
        %parallel_loop3A_797 = arith.index_cast %parallel_loop3A_796 : i32 to index
        %parallel_loop3A_798 = arith.constant 32 : index
        %parallel_loop3A_799 = tpu.vector_load %arg11[%parallel_loop3A_797, %parallel_loop3A_798] {strides = array<i32>} : memref<1024x64xf32, #tpu.memory_space<vmem>>, vector<16xf32>,
        %parallel_loop3A_800 = arith.addf %parallel_loop3A_795, %parallel_loop3A_799 : vector<16xf32>
        tpu.vector_store_idx %arg10[%add3A_11, %parallel_loop3A_776], %parallel_loop3A_800 : memref<64x129xf32, #tpu.memory_space<vmem>>[vector<16xi32>, vector<16xi32>], vector<16xf32>,
        %parallel_loop3A_801 = arith.index_cast %parallel_loop3A_775 : i32 to index
        %parallel_loop3A_802 = arith.constant 48 : index
        %parallel_loop3A_803 = tpu.vector_load %arg8[%parallel_loop3A_801, %parallel_loop3A_802] {strides = array<i32>} : memref<128x64xf32, #tpu.memory_space<vmem>>, vector<16xf32>,
        %parallel_loop3A_804 = arith.addi %mul3A_599, %parallel_loop3A_775 : i32
        %parallel_loop3A_805 = arith.index_cast %parallel_loop3A_804 : i32 to index
        %parallel_loop3A_806 = arith.constant 48 : index
        %parallel_loop3A_807 = tpu.vector_load %arg11[%parallel_loop3A_805, %parallel_loop3A_806] {strides = array<i32>} : memref<1024x64xf32, #tpu.memory_space<vmem>>, vector<16xf32>,
        %parallel_loop3A_808 = arith.addf %parallel_loop3A_803, %parallel_loop3A_807 : vector<16xf32>
        tpu.vector_store_idx %arg10[%add3A_14, %parallel_loop3A_776], %parallel_loop3A_808 : memref<64x129xf32, #tpu.memory_space<vmem>>[vector<16xi32>, vector<16xi32>], vector<16xf32>,
      } {sc.loop_unroll_factor = 4 : i64, sc.parallel_access}
      %add3A_603 = arith.constant 1 : i32
      %add3A_604 = arith.addi %mul3A_364, %add3A_603 : i32
      %mul3A_605 = arith.constant 128 : i32
      %mul3A_606 = arith.muli %add3A_604, %mul3A_605 : i32
      %add3A_607 = arith.addi %mul3A_2, %mul3A_606 : i32
      %jit3A_608 = arith.constant 1024 : i32
      %div3A_609 = arith.divsi %add3A_607, %jit3A_608 : i32
      %sign3A_610 = arith.constant 0 : i32
      %sign3A_611 = arith.cmpi sgt, %add3A_607, %sign3A_610 : i32
      %sign3A_612 = arith.extui %sign3A_611 : i1 to i32
      %sign3A_613 = arith.constant 0 : i32
      %sign3A_614 = arith.cmpi slt, %add3A_607, %sign3A_613 : i32
      %sign3A_615 = arith.extui %sign3A_614 : i1 to i32
      %sign3A_616 = arith.subi %sign3A_612, %sign3A_615 : i32
      %sign3A_617 = arith.constant 0 : i32
      %sign3A_618 = arith.cmpi sgt, %jit3A_608, %sign3A_617 : i32
      %sign3A_619 = arith.extui %sign3A_618 : i1 to i32
      %sign3A_620 = arith.constant 0 : i32
      %sign3A_621 = arith.cmpi slt, %jit3A_608, %sign3A_620 : i32
      %sign3A_622 = arith.extui %sign3A_621 : i1 to i32
      %sign3A_623 = arith.subi %sign3A_619, %sign3A_622 : i32
      %ne3A_624 = arith.cmpi ne, %sign3A_616, %sign3A_623 : i32
      %rem3A_625 = arith.remsi %add3A_607, %jit3A_608 : i32
      %ne3A_626 = arith.constant 0 : i32
      %ne3A_627 = arith.cmpi ne, %rem3A_625, %ne3A_626 : i32
      %and3A_628 = arith.andi %ne3A_624, %ne3A_627 : i1
      %sub3A_629 = arith.constant 1 : i32
      %sub3A_630 = arith.subi %div3A_609, %sub3A_629 : i32
      %select_n3A_631 = arith.select %and3A_628, %sub3A_630, %div3A_609 : i32
      %rem3A_632 = arith.constant 1024 : i32
      %rem3A_633 = arith.remsi %add3A_607, %rem3A_632 : i32
      %jit3A_634 = arith.constant 128 : i32
      %div3A_635 = arith.divsi %rem3A_633, %jit3A_634 : i32
      %sign3A_636 = arith.constant 0 : i32
      %sign3A_637 = arith.cmpi sgt, %rem3A_633, %sign3A_636 : i32
      %sign3A_638 = arith.extui %sign3A_637 : i1 to i32
      %sign3A_639 = arith.constant 0 : i32
      %sign3A_640 = arith.cmpi slt, %rem3A_633, %sign3A_639 : i32
      %sign3A_641 = arith.extui %sign3A_640 : i1 to i32
      %sign3A_642 = arith.subi %sign3A_638, %sign3A_641 : i32
      %sign3A_643 = arith.constant 0 : i32
      %sign3A_644 = arith.cmpi sgt, %jit3A_634, %sign3A_643 : i32
      %sign3A_645 = arith.extui %sign3A_644 : i1 to i32
      %sign3A_646 = arith.constant 0 : i32
      %sign3A_647 = arith.cmpi slt, %jit3A_634, %sign3A_646 : i32
      %sign3A_648 = arith.extui %sign3A_647 : i1 to i32
      %sign3A_649 = arith.subi %sign3A_645, %sign3A_648 : i32
      %ne3A_650 = arith.cmpi ne, %sign3A_642, %sign3A_649 : i32
      %rem3A_651 = arith.remsi %rem3A_633, %jit3A_634 : i32
      %ne3A_652 = arith.constant 0 : i32
      %ne3A_653 = arith.cmpi ne, %rem3A_651, %ne3A_652 : i32
      %and3A_654 = arith.andi %ne3A_650, %ne3A_653 : i1
      %sub3A_655 = arith.constant 1 : i32
      %sub3A_656 = arith.subi %div3A_635, %sub3A_655 : i32
      %select_n3A_657 = arith.select %and3A_654, %sub3A_656, %div3A_635 : i32
      %mul3A_658 = arith.constant 512 : i32
      %mul3A_659 = arith.muli %select_n3A_631, %mul3A_658 : i32
      %mul3A_660 = arith.constant 8 : i32
      %mul3A_661 = arith.muli %select_n3A_657, %mul3A_660 : i32
      %add3A_662 = arith.addi %mul3A_659, %mul3A_661 : i32
      %add3A_663 = arith.constant 0 : i32
      %add3A_664 = arith.addi %add3A_662, %add3A_663 : i32
      %add3A_665 = arith.constant 0 : i32
      %add3A_666 = arith.addi %add3A_664, %add3A_665 : i32
      %dma_start3A_667 = arith.constant 0 : i32
      %dma_start3A_668 = arith.constant 0 : i32
      %dma_start3A_669 = tpu.memref_slice %arg10[%dma_start3A_667, %dma_start3A_668] : memref<64x129xf32, #tpu.memory_space<vmem>> -> memref<8x128xf32, #tpu.memory_space<vmem>>
      %dma_start3A_670 = arith.constant 0 : i32
      %dma_start3A_671 = tpu.memref_slice %arg5[%add3A_666, %dma_start3A_670] : memref<524288x128xf32, #tpu.memory_space<hbm>> -> memref<8x128xf32, #tpu.memory_space<hbm>>
      %dma_start3A_672 = arith.constant 0 : i32
      %dma_start3A_673 = tpu.memref_slice %arg5[%add3A_666, %dma_start3A_672] : memref<524288x128xf32, #tpu.memory_space<hbm>> -> memref<8x128xf32, #tpu.memory_space<hbm>>
      %dma_start3A_674 = arith.constant 0 : i32
      %dma_start3A_675 = arith.constant 0 : i32
      %dma_start3A_676 = tpu.memref_slice %arg10[%dma_start3A_674, %dma_start3A_675] : memref<64x129xf32, #tpu.memory_space<vmem>> -> memref<8x128xf32, #tpu.memory_space<vmem>>
      tpu.enqueue_dma source(%dma_start3A_676 : memref<8x128xf32, #tpu.memory_space<vmem>>) target(%dma_start3A_673 : memref<8x128xf32, #tpu.memory_space<hbm>>) target_semaphore(%arg15 : memref<!tpu.dma_semaphore, #tpu.memory_space<semaphore_mem>>)
      %add3A_677 = arith.constant 64 : i32
      %add3A_678 = arith.addi %add3A_662, %add3A_677 : i32
      %add3A_679 = arith.constant 0 : i32
      %add3A_680 = arith.addi %add3A_678, %add3A_679 : i32
      %dma_start3A_681 = arith.constant 8 : i32
      %dma_start3A_682 = arith.constant 0 : i32
      %dma_start3A_683 = tpu.memref_slice %arg10[%dma_start3A_681, %dma_start3A_682] : memref<64x129xf32, #tpu.memory_space<vmem>> -> memref<8x128xf32, #tpu.memory_space<vmem>>
      %dma_start3A_684 = arith.constant 0 : i32
      %dma_start3A_685 = tpu.memref_slice %arg5[%add3A_680, %dma_start3A_684] : memref<524288x128xf32, #tpu.memory_space<hbm>> -> memref<8x128xf32, #tpu.memory_space<hbm>>
      %dma_start3A_686 = arith.constant 0 : i32
      %dma_start3A_687 = tpu.memref_slice %arg5[%add3A_680, %dma_start3A_686] : memref<524288x128xf32, #tpu.memory_space<hbm>> -> memref<8x128xf32, #tpu.memory_space<hbm>>
      %dma_start3A_688 = arith.constant 8 : i32
      %dma_start3A_689 = arith.constant 0 : i32
      %dma_start3A_690 = tpu.memref_slice %arg10[%dma_start3A_688, %dma_start3A_689] : memref<64x129xf32, #tpu.memory_space<vmem>> -> memref<8x128xf32, #tpu.memory_space<vmem>>
      tpu.enqueue_dma source(%dma_start3A_690 : memref<8x128xf32, #tpu.memory_space<vmem>>) target(%dma_start3A_687 : memref<8x128xf32, #tpu.memory_space<hbm>>) target_semaphore(%arg15 : memref<!tpu.dma_semaphore, #tpu.memory_space<semaphore_mem>>)
      %add3A_691 = arith.constant 128 : i32
      %add3A_692 = arith.addi %add3A_662, %add3A_691 : i32
      %add3A_693 = arith.constant 0 : i32
      %add3A_694 = arith.addi %add3A_692, %add3A_693 : i32
      %dma_start3A_695 = arith.constant 16 : i32
      %dma_start3A_696 = arith.constant 0 : i32
      %dma_start3A_697 = tpu.memref_slice %arg10[%dma_start3A_695, %dma_start3A_696] : memref<64x129xf32, #tpu.memory_space<vmem>> -> memref<8x128xf32, #tpu.memory_space<vmem>>
      %dma_start3A_698 = arith.constant 0 : i32
      %dma_start3A_699 = tpu.memref_slice %arg5[%add3A_694, %dma_start3A_698] : memref<524288x128xf32, #tpu.memory_space<hbm>> -> memref<8x128xf32, #tpu.memory_space<hbm>>
      %dma_start3A_700 = arith.constant 0 : i32
      %dma_start3A_701 = tpu.memref_slice %arg5[%add3A_694, %dma_start3A_700] : memref<524288x128xf32, #tpu.memory_space<hbm>> -> memref<8x128xf32, #tpu.memory_space<hbm>>
      %dma_start3A_702 = arith.constant 16 : i32
      %dma_start3A_703 = arith.constant 0 : i32
      %dma_start3A_704 = tpu.memref_slice %arg10[%dma_start3A_702, %dma_start3A_703] : memref<64x129xf32, #tpu.memory_space<vmem>> -> memref<8x128xf32, #tpu.memory_space<vmem>>
      tpu.enqueue_dma source(%dma_start3A_704 : memref<8x128xf32, #tpu.memory_space<vmem>>) target(%dma_start3A_701 : memref<8x128xf32, #tpu.memory_space<hbm>>) target_semaphore(%arg15 : memref<!tpu.dma_semaphore, #tpu.memory_space<semaphore_mem>>)
      %add3A_705 = arith.constant 192 : i32
      %add3A_706 = arith.addi %add3A_662, %add3A_705 : i32
      %add3A_707 = arith.constant 0 : i32
      %add3A_708 = arith.addi %add3A_706, %add3A_707 : i32
      %dma_start3A_709 = arith.constant 24 : i32
      %dma_start3A_710 = arith.constant 0 : i32
      %dma_start3A_711 = tpu.memref_slice %arg10[%dma_start3A_709, %dma_start3A_710] : memref<64x129xf32, #tpu.memory_space<vmem>> -> memref<8x128xf32, #tpu.memory_space<vmem>>
      %dma_start3A_712 = arith.constant 0 : i32
      %dma_start3A_713 = tpu.memref_slice %arg5[%add3A_708, %dma_start3A_712] : memref<524288x128xf32, #tpu.memory_space<hbm>> -> memref<8x128xf32, #tpu.memory_space<hbm>>
      %dma_start3A_714 = arith.constant 0 : i32
      %dma_start3A_715 = tpu.memref_slice %arg5[%add3A_708, %dma_start3A_714] : memref<524288x128xf32, #tpu.memory_space<hbm>> -> memref<8x128xf32, #tpu.memory_space<hbm>>
      %dma_start3A_716 = arith.constant 24 : i32
      %dma_start3A_717 = arith.constant 0 : i32
      %dma_start3A_718 = tpu.memref_slice %arg10[%dma_start3A_716, %dma_start3A_717] : memref<64x129xf32, #tpu.memory_space<vmem>> -> memref<8x128xf32, #tpu.memory_space<vmem>>
      tpu.enqueue_dma source(%dma_start3A_718 : memref<8x128xf32, #tpu.memory_space<vmem>>) target(%dma_start3A_715 : memref<8x128xf32, #tpu.memory_space<hbm>>) target_semaphore(%arg15 : memref<!tpu.dma_semaphore, #tpu.memory_space<semaphore_mem>>)
      %add3A_719 = arith.constant 256 : i32
      %add3A_720 = arith.addi %add3A_662, %add3A_719 : i32
      %add3A_721 = arith.constant 0 : i32
      %add3A_722 = arith.addi %add3A_720, %add3A_721 : i32
      %dma_start3A_723 = arith.constant 32 : i32
      %dma_start3A_724 = arith.constant 0 : i32
      %dma_start3A_725 = tpu.memref_slice %arg10[%dma_start3A_723, %dma_start3A_724] : memref<64x129xf32, #tpu.memory_space<vmem>> -> memref<8x128xf32, #tpu.memory_space<vmem>>
      %dma_start3A_726 = arith.constant 0 : i32
      %dma_start3A_727 = tpu.memref_slice %arg5[%add3A_722, %dma_start3A_726] : memref<524288x128xf32, #tpu.memory_space<hbm>> -> memref<8x128xf32, #tpu.memory_space<hbm>>
      %dma_start3A_728 = arith.constant 0 : i32
      %dma_start3A_729 = tpu.memref_slice %arg5[%add3A_722, %dma_start3A_728] : memref<524288x128xf32, #tpu.memory_space<hbm>> -> memref<8x128xf32, #tpu.memory_space<hbm>>
      %dma_start3A_730 = arith.constant 32 : i32
      %dma_start3A_731 = arith.constant 0 : i32
      %dma_start3A_732 = tpu.memref_slice %arg10[%dma_start3A_730, %dma_start3A_731] : memref<64x129xf32, #tpu.memory_space<vmem>> -> memref<8x128xf32, #tpu.memory_space<vmem>>
      tpu.enqueue_dma source(%dma_start3A_732 : memref<8x128xf32, #tpu.memory_space<vmem>>) target(%dma_start3A_729 : memref<8x128xf32, #tpu.memory_space<hbm>>) target_semaphore(%arg15 : memref<!tpu.dma_semaphore, #tpu.memory_space<semaphore_mem>>)
      %add3A_733 = arith.constant 320 : i32
      %add3A_734 = arith.addi %add3A_662, %add3A_733 : i32
      %add3A_735 = arith.constant 0 : i32
      %add3A_736 = arith.addi %add3A_734, %add3A_735 : i32
      %dma_start3A_737 = arith.constant 40 : i32
      %dma_start3A_738 = arith.constant 0 : i32
      %dma_start3A_739 = tpu.memref_slice %arg10[%dma_start3A_737, %dma_start3A_738] : memref<64x129xf32, #tpu.memory_space<vmem>> -> memref<8x128xf32, #tpu.memory_space<vmem>>
      %dma_start3A_740 = arith.constant 0 : i32
      %dma_start3A_741 = tpu.memref_slice %arg5[%add3A_736, %dma_start3A_740] : memref<524288x128xf32, #tpu.memory_space<hbm>> -> memref<8x128xf32, #tpu.memory_space<hbm>>
      %dma_start3A_742 = arith.constant 0 : i32
      %dma_start3A_743 = tpu.memref_slice %arg5[%add3A_736, %dma_start3A_742] : memref<524288x128xf32, #tpu.memory_space<hbm>> -> memref<8x128xf32, #tpu.memory_space<hbm>>
      %dma_start3A_744 = arith.constant 40 : i32
      %dma_start3A_745 = arith.constant 0 : i32
      %dma_start3A_746 = tpu.memref_slice %arg10[%dma_start3A_744, %dma_start3A_745] : memref<64x129xf32, #tpu.memory_space<vmem>> -> memref<8x128xf32, #tpu.memory_space<vmem>>
      tpu.enqueue_dma source(%dma_start3A_746 : memref<8x128xf32, #tpu.memory_space<vmem>>) target(%dma_start3A_743 : memref<8x128xf32, #tpu.memory_space<hbm>>) target_semaphore(%arg15 : memref<!tpu.dma_semaphore, #tpu.memory_space<semaphore_mem>>)
      %add3A_747 = arith.constant 384 : i32
      %add3A_748 = arith.addi %add3A_662, %add3A_747 : i32
      %add3A_749 = arith.constant 0 : i32
      %add3A_750 = arith.addi %add3A_748, %add3A_749 : i32
      %dma_start3A_751 = arith.constant 48 : i32
      %dma_start3A_752 = arith.constant 0 : i32
      %dma_start3A_753 = tpu.memref_slice %arg10[%dma_start3A_751, %dma_start3A_752] : memref<64x129xf32, #tpu.memory_space<vmem>> -> memref<8x128xf32, #tpu.memory_space<vmem>>
      %dma_start3A_754 = arith.constant 0 : i32
      %dma_start3A_755 = tpu.memref_slice %arg5[%add3A_750, %dma_start3A_754] : memref<524288x128xf32, #tpu.memory_space<hbm>> -> memref<8x128xf32, #tpu.memory_space<hbm>>
      %dma_start3A_756 = arith.constant 0 : i32
      %dma_start3A_757 = tpu.memref_slice %arg5[%add3A_750, %dma_start3A_756] : memref<524288x128xf32, #tpu.memory_space<hbm>> -> memref<8x128xf32, #tpu.memory_space<hbm>>
      %dma_start3A_758 = arith.constant 48 : i32
      %dma_start3A_759 = arith.constant 0 : i32
      %dma_start3A_760 = tpu.memref_slice %arg10[%dma_start3A_758, %dma_start3A_759] : memref<64x129xf32, #tpu.memory_space<vmem>> -> memref<8x128xf32, #tpu.memory_space<vmem>>
      tpu.enqueue_dma source(%dma_start3A_760 : memref<8x128xf32, #tpu.memory_space<vmem>>) target(%dma_start3A_757 : memref<8x128xf32, #tpu.memory_space<hbm>>) target_semaphore(%arg15 : memref<!tpu.dma_semaphore, #tpu.memory_space<semaphore_mem>>)
      %add3A_761 = arith.constant 448 : i32
      %add3A_762 = arith.addi %add3A_662, %add3A_761 : i32
      %add3A_763 = arith.constant 0 : i32
      %add3A_764 = arith.addi %add3A_762, %add3A_763 : i32
      %dma_start3A_765 = arith.constant 56 : i32
      %dma_start3A_766 = arith.constant 0 : i32
      %dma_start3A_767 = tpu.memref_slice %arg10[%dma_start3A_765, %dma_start3A_766] : memref<64x129xf32, #tpu.memory_space<vmem>> -> memref<8x128xf32, #tpu.memory_space<vmem>>
      %dma_start3A_768 = arith.constant 0 : i32
      %dma_start3A_769 = tpu.memref_slice %arg5[%add3A_764, %dma_start3A_768] : memref<524288x128xf32, #tpu.memory_space<hbm>> -> memref<8x128xf32, #tpu.memory_space<hbm>>
      %dma_start3A_770 = arith.constant 0 : i32
      %dma_start3A_771 = tpu.memref_slice %arg5[%add3A_764, %dma_start3A_770] : memref<524288x128xf32, #tpu.memory_space<hbm>> -> memref<8x128xf32, #tpu.memory_space<hbm>>
      %dma_start3A_772 = arith.constant 56 : i32
      %dma_start3A_773 = arith.constant 0 : i32
      %dma_start3A_774 = tpu.memref_slice %arg10[%dma_start3A_772, %dma_start3A_773] : memref<64x129xf32, #tpu.memory_space<vmem>> -> memref<8x128xf32, #tpu.memory_space<vmem>>
      tpu.enqueue_dma source(%dma_start3A_774 : memref<8x128xf32, #tpu.memory_space<vmem>>) target(%dma_start3A_771 : memref<8x128xf32, #tpu.memory_space<hbm>>) target_semaphore(%arg15 : memref<!tpu.dma_semaphore, #tpu.memory_space<semaphore_mem>>)
    }
    %scan3A_32 = arith.constant 128 : i32
    %add3A_33 = arith.constant 32512 : i32
    %add3A_34 = arith.addi %mul3A_2, %add3A_33 : i32
    %jit3A = arith.constant 1024 : i32
    %div3A = arith.divsi %add3A_34, %jit3A : i32
    %sign3A = arith.constant 0 : i32
    %sign3A_35 = arith.cmpi sgt, %add3A_34, %sign3A : i32
    %sign3A_36 = arith.extui %sign3A_35 : i1 to i32
    %sign3A_37 = arith.constant 0 : i32
    %sign3A_38 = arith.cmpi slt, %add3A_34, %sign3A_37 : i32
    %sign3A_39 = arith.extui %sign3A_38 : i1 to i32
    %sign3A_40 = arith.subi %sign3A_36, %sign3A_39 : i32
    %sign3A_41 = arith.constant 0 : i32
    %sign3A_42 = arith.cmpi sgt, %jit3A, %sign3A_41 : i32
    %sign3A_43 = arith.extui %sign3A_42 : i1 to i32
    %sign3A_44 = arith.constant 0 : i32
    %sign3A_45 = arith.cmpi slt, %jit3A, %sign3A_44 : i32
    %sign3A_46 = arith.extui %sign3A_45 : i1 to i32
    %sign3A_47 = arith.subi %sign3A_43, %sign3A_46 : i32
    %ne3A = arith.cmpi ne, %sign3A_40, %sign3A_47 : i32
    %rem3A = arith.remsi %add3A_34, %jit3A : i32
    %ne3A_48 = arith.constant 0 : i32
    %ne3A_49 = arith.cmpi ne, %rem3A, %ne3A_48 : i32
    %and3A = arith.andi %ne3A, %ne3A_49 : i1
    %sub3A = arith.constant 1 : i32
    %sub3A_50 = arith.subi %div3A, %sub3A : i32
    %select_n3A = arith.select %and3A, %sub3A_50, %div3A : i32
    %rem3A_51 = arith.constant 1024 : i32
    %rem3A_52 = arith.remsi %add3A_34, %rem3A_51 : i32
    %jit3A_53 = arith.constant 128 : i32
    %div3A_54 = arith.divsi %rem3A_52, %jit3A_53 : i32
    %sign3A_55 = arith.constant 0 : i32
    %sign3A_56 = arith.cmpi sgt, %rem3A_52, %sign3A_55 : i32
    %sign3A_57 = arith.extui %sign3A_56 : i1 to i32
    %sign3A_58 = arith.constant 0 : i32
    %sign3A_59 = arith.cmpi slt, %rem3A_52, %sign3A_58 : i32
    %sign3A_60 = arith.extui %sign3A_59 : i1 to i32
    %sign3A_61 = arith.subi %sign3A_57, %sign3A_60 : i32
    %sign3A_62 = arith.constant 0 : i32
    %sign3A_63 = arith.cmpi sgt, %jit3A_53, %sign3A_62 : i32
    %sign3A_64 = arith.extui %sign3A_63 : i1 to i32
    %sign3A_65 = arith.constant 0 : i32
    %sign3A_66 = arith.cmpi slt, %jit3A_53, %sign3A_65 : i32
    %sign3A_67 = arith.extui %sign3A_66 : i1 to i32
    %sign3A_68 = arith.subi %sign3A_64, %sign3A_67 : i32
    %ne3A_69 = arith.cmpi ne, %sign3A_61, %sign3A_68 : i32
    %rem3A_70 = arith.remsi %rem3A_52, %jit3A_53 : i32
    %ne3A_71 = arith.constant 0 : i32
    %ne3A_72 = arith.cmpi ne, %rem3A_70, %ne3A_71 : i32
    %and3A_73 = arith.andi %ne3A_69, %ne3A_72 : i1
    %sub3A_74 = arith.constant 1 : i32
    %sub3A_75 = arith.subi %div3A_54, %sub3A_74 : i32
    %select_n3A_76 = arith.select %and3A_73, %sub3A_75, %div3A_54 : i32
    %mul3A_77 = arith.constant 512 : i32
    %mul3A_78 = arith.muli %select_n3A, %mul3A_77 : i32
    %mul3A_79 = arith.constant 8 : i32
    %mul3A_80 = arith.muli %select_n3A_76, %mul3A_79 : i32
    %add3A_81 = arith.addi %mul3A_78, %mul3A_80 : i32
    %add3A_82 = arith.constant 0 : i32
    %add3A_83 = arith.addi %add3A_81, %add3A_82 : i32
    %add3A_84 = arith.constant 0 : i32
    %add3A_85 = arith.addi %add3A_83, %add3A_84 : i32
    %dma_wait3A = arith.constant 0 : i32
    %dma_wait3A_86 = arith.constant 0 : i32
    %dma_wait3A_87 = tpu.memref_slice %arg9[%dma_wait3A, %dma_wait3A_86] : memref<64x129xf32, #tpu.memory_space<vmem>> -> memref<8x128xf32, #tpu.memory_space<vmem>>
    %dma_wait3A_88 = arith.constant 0 : i32
    %dma_wait3A_89 = tpu.memref_slice %arg5[%add3A_85, %dma_wait3A_88] : memref<524288x128xf32, #tpu.memory_space<hbm>> -> memref<8x128xf32, #tpu.memory_space<hbm>>
    %dma_wait3A_90 = arith.constant 0 : i32
    %dma_wait3A_91 = tpu.memref_slice %arg5[%add3A_85, %dma_wait3A_90] : memref<524288x128xf32, #tpu.memory_space<hbm>> -> memref<8x128xf32, #tpu.memory_space<hbm>>
    %dma_wait3A_92 = arith.constant 0 : i32
    %dma_wait3A_93 = arith.constant 0 : i32
    %dma_wait3A_94 = tpu.memref_slice %arg9[%dma_wait3A_92, %dma_wait3A_93] : memref<64x129xf32, #tpu.memory_space<vmem>> -> memref<8x128xf32, #tpu.memory_space<vmem>>
    tpu.wait_dma2 semaphore(%arg14 : memref<!tpu.dma_semaphore, #tpu.memory_space<semaphore_mem>>) src(%dma_wait3A_94 : memref<8x128xf32, #tpu.memory_space<vmem>>) dst(%dma_wait3A_91 : memref<8x128xf32, #tpu.memory_space<hbm>>)
    %add3A_95 = arith.constant 64 : i32
    %add3A_96 = arith.addi %add3A_81, %add3A_95 : i32
    %add3A_97 = arith.constant 0 : i32
    %add3A_98 = arith.addi %add3A_96, %add3A_97 : i32
    %dma_wait3A_99 = arith.constant 8 : i32
    %dma_wait3A_100 = arith.constant 0 : i32
    %dma_wait3A_101 = tpu.memref_slice %arg9[%dma_wait3A_99, %dma_wait3A_100] : memref<64x129xf32, #tpu.memory_space<vmem>> -> memref<8x128xf32, #tpu.memory_space<vmem>>
    %dma_wait3A_102 = arith.constant 0 : i32
    %dma_wait3A_103 = tpu.memref_slice %arg5[%add3A_98, %dma_wait3A_102] : memref<524288x128xf32, #tpu.memory_space<hbm>> -> memref<8x128xf32, #tpu.memory_space<hbm>>
    %dma_wait3A_104 = arith.constant 0 : i32
    %dma_wait3A_105 = tpu.memref_slice %arg5[%add3A_98, %dma_wait3A_104] : memref<524288x128xf32, #tpu.memory_space<hbm>> -> memref<8x128xf32, #tpu.memory_space<hbm>>
    %dma_wait3A_106 = arith.constant 8 : i32
    %dma_wait3A_107 = arith.constant 0 : i32
    %dma_wait3A_108 = tpu.memref_slice %arg9[%dma_wait3A_106, %dma_wait3A_107] : memref<64x129xf32, #tpu.memory_space<vmem>> -> memref<8x128xf32, #tpu.memory_space<vmem>>
    tpu.wait_dma2 semaphore(%arg14 : memref<!tpu.dma_semaphore, #tpu.memory_space<semaphore_mem>>) src(%dma_wait3A_108 : memref<8x128xf32, #tpu.memory_space<vmem>>) dst(%dma_wait3A_105 : memref<8x128xf32, #tpu.memory_space<hbm>>)
    %add3A_109 = arith.constant 128 : i32
    %add3A_110 = arith.addi %add3A_81, %add3A_109 : i32
    %add3A_111 = arith.constant 0 : i32
    %add3A_112 = arith.addi %add3A_110, %add3A_111 : i32
    %dma_wait3A_113 = arith.constant 16 : i32
    %dma_wait3A_114 = arith.constant 0 : i32
    %dma_wait3A_115 = tpu.memref_slice %arg9[%dma_wait3A_113, %dma_wait3A_114] : memref<64x129xf32, #tpu.memory_space<vmem>> -> memref<8x128xf32, #tpu.memory_space<vmem>>
    %dma_wait3A_116 = arith.constant 0 : i32
    %dma_wait3A_117 = tpu.memref_slice %arg5[%add3A_112, %dma_wait3A_116] : memref<524288x128xf32, #tpu.memory_space<hbm>> -> memref<8x128xf32, #tpu.memory_space<hbm>>
    %dma_wait3A_118 = arith.constant 0 : i32
    %dma_wait3A_119 = tpu.memref_slice %arg5[%add3A_112, %dma_wait3A_118] : memref<524288x128xf32, #tpu.memory_space<hbm>> -> memref<8x128xf32, #tpu.memory_space<hbm>>
    %dma_wait3A_120 = arith.constant 16 : i32
    %dma_wait3A_121 = arith.constant 0 : i32
    %dma_wait3A_122 = tpu.memref_slice %arg9[%dma_wait3A_120, %dma_wait3A_121] : memref<64x129xf32, #tpu.memory_space<vmem>> -> memref<8x128xf32, #tpu.memory_space<vmem>>
    tpu.wait_dma2 semaphore(%arg14 : memref<!tpu.dma_semaphore, #tpu.memory_space<semaphore_mem>>) src(%dma_wait3A_122 : memref<8x128xf32, #tpu.memory_space<vmem>>) dst(%dma_wait3A_119 : memref<8x128xf32, #tpu.memory_space<hbm>>)
    %add3A_123 = arith.constant 192 : i32
    %add3A_124 = arith.addi %add3A_81, %add3A_123 : i32
    %add3A_125 = arith.constant 0 : i32
    %add3A_126 = arith.addi %add3A_124, %add3A_125 : i32
    %dma_wait3A_127 = arith.constant 24 : i32
    %dma_wait3A_128 = arith.constant 0 : i32
    %dma_wait3A_129 = tpu.memref_slice %arg9[%dma_wait3A_127, %dma_wait3A_128] : memref<64x129xf32, #tpu.memory_space<vmem>> -> memref<8x128xf32, #tpu.memory_space<vmem>>
    %dma_wait3A_130 = arith.constant 0 : i32
    %dma_wait3A_131 = tpu.memref_slice %arg5[%add3A_126, %dma_wait3A_130] : memref<524288x128xf32, #tpu.memory_space<hbm>> -> memref<8x128xf32, #tpu.memory_space<hbm>>
    %dma_wait3A_132 = arith.constant 0 : i32
    %dma_wait3A_133 = tpu.memref_slice %arg5[%add3A_126, %dma_wait3A_132] : memref<524288x128xf32, #tpu.memory_space<hbm>> -> memref<8x128xf32, #tpu.memory_space<hbm>>
    %dma_wait3A_134 = arith.constant 24 : i32
    %dma_wait3A_135 = arith.constant 0 : i32
    %dma_wait3A_136 = tpu.memref_slice %arg9[%dma_wait3A_134, %dma_wait3A_135] : memref<64x129xf32, #tpu.memory_space<vmem>> -> memref<8x128xf32, #tpu.memory_space<vmem>>
    tpu.wait_dma2 semaphore(%arg14 : memref<!tpu.dma_semaphore, #tpu.memory_space<semaphore_mem>>) src(%dma_wait3A_136 : memref<8x128xf32, #tpu.memory_space<vmem>>) dst(%dma_wait3A_133 : memref<8x128xf32, #tpu.memory_space<hbm>>)
    %add3A_137 = arith.constant 256 : i32
    %add3A_138 = arith.addi %add3A_81, %add3A_137 : i32
    %add3A_139 = arith.constant 0 : i32
    %add3A_140 = arith.addi %add3A_138, %add3A_139 : i32
    %dma_wait3A_141 = arith.constant 32 : i32
    %dma_wait3A_142 = arith.constant 0 : i32
    %dma_wait3A_143 = tpu.memref_slice %arg9[%dma_wait3A_141, %dma_wait3A_142] : memref<64x129xf32, #tpu.memory_space<vmem>> -> memref<8x128xf32, #tpu.memory_space<vmem>>
    %dma_wait3A_144 = arith.constant 0 : i32
    %dma_wait3A_145 = tpu.memref_slice %arg5[%add3A_140, %dma_wait3A_144] : memref<524288x128xf32, #tpu.memory_space<hbm>> -> memref<8x128xf32, #tpu.memory_space<hbm>>
    %dma_wait3A_146 = arith.constant 0 : i32
    %dma_wait3A_147 = tpu.memref_slice %arg5[%add3A_140, %dma_wait3A_146] : memref<524288x128xf32, #tpu.memory_space<hbm>> -> memref<8x128xf32, #tpu.memory_space<hbm>>
    %dma_wait3A_148 = arith.constant 32 : i32
    %dma_wait3A_149 = arith.constant 0 : i32
    %dma_wait3A_150 = tpu.memref_slice %arg9[%dma_wait3A_148, %dma_wait3A_149] : memref<64x129xf32, #tpu.memory_space<vmem>> -> memref<8x128xf32, #tpu.memory_space<vmem>>
    tpu.wait_dma2 semaphore(%arg14 : memref<!tpu.dma_semaphore, #tpu.memory_space<semaphore_mem>>) src(%dma_wait3A_150 : memref<8x128xf32, #tpu.memory_space<vmem>>) dst(%dma_wait3A_147 : memref<8x128xf32, #tpu.memory_space<hbm>>)
    %add3A_151 = arith.constant 320 : i32
    %add3A_152 = arith.addi %add3A_81, %add3A_151 : i32
    %add3A_153 = arith.constant 0 : i32
    %add3A_154 = arith.addi %add3A_152, %add3A_153 : i32
    %dma_wait3A_155 = arith.constant 40 : i32
    %dma_wait3A_156 = arith.constant 0 : i32
    %dma_wait3A_157 = tpu.memref_slice %arg9[%dma_wait3A_155, %dma_wait3A_156] : memref<64x129xf32, #tpu.memory_space<vmem>> -> memref<8x128xf32, #tpu.memory_space<vmem>>
    %dma_wait3A_158 = arith.constant 0 : i32
    %dma_wait3A_159 = tpu.memref_slice %arg5[%add3A_154, %dma_wait3A_158] : memref<524288x128xf32, #tpu.memory_space<hbm>> -> memref<8x128xf32, #tpu.memory_space<hbm>>
    %dma_wait3A_160 = arith.constant 0 : i32
    %dma_wait3A_161 = tpu.memref_slice %arg5[%add3A_154, %dma_wait3A_160] : memref<524288x128xf32, #tpu.memory_space<hbm>> -> memref<8x128xf32, #tpu.memory_space<hbm>>
    %dma_wait3A_162 = arith.constant 40 : i32
    %dma_wait3A_163 = arith.constant 0 : i32
    %dma_wait3A_164 = tpu.memref_slice %arg9[%dma_wait3A_162, %dma_wait3A_163] : memref<64x129xf32, #tpu.memory_space<vmem>> -> memref<8x128xf32, #tpu.memory_space<vmem>>
    tpu.wait_dma2 semaphore(%arg14 : memref<!tpu.dma_semaphore, #tpu.memory_space<semaphore_mem>>) src(%dma_wait3A_164 : memref<8x128xf32, #tpu.memory_space<vmem>>) dst(%dma_wait3A_161 : memref<8x128xf32, #tpu.memory_space<hbm>>)
    %add3A_165 = arith.constant 384 : i32
    %add3A_166 = arith.addi %add3A_81, %add3A_165 : i32
    %add3A_167 = arith.constant 0 : i32
    %add3A_168 = arith.addi %add3A_166, %add3A_167 : i32
    %dma_wait3A_169 = arith.constant 48 : i32
    %dma_wait3A_170 = arith.constant 0 : i32
    %dma_wait3A_171 = tpu.memref_slice %arg9[%dma_wait3A_169, %dma_wait3A_170] : memref<64x129xf32, #tpu.memory_space<vmem>> -> memref<8x128xf32, #tpu.memory_space<vmem>>
    %dma_wait3A_172 = arith.constant 0 : i32
    %dma_wait3A_173 = tpu.memref_slice %arg5[%add3A_168, %dma_wait3A_172] : memref<524288x128xf32, #tpu.memory_space<hbm>> -> memref<8x128xf32, #tpu.memory_space<hbm>>
    %dma_wait3A_174 = arith.constant 0 : i32
    %dma_wait3A_175 = tpu.memref_slice %arg5[%add3A_168, %dma_wait3A_174] : memref<524288x128xf32, #tpu.memory_space<hbm>> -> memref<8x128xf32, #tpu.memory_space<hbm>>
    %dma_wait3A_176 = arith.constant 48 : i32
    %dma_wait3A_177 = arith.constant 0 : i32
    %dma_wait3A_178 = tpu.memref_slice %arg9[%dma_wait3A_176, %dma_wait3A_177] : memref<64x129xf32, #tpu.memory_space<vmem>> -> memref<8x128xf32, #tpu.memory_space<vmem>>
    tpu.wait_dma2 semaphore(%arg14 : memref<!tpu.dma_semaphore, #tpu.memory_space<semaphore_mem>>) src(%dma_wait3A_178 : memref<8x128xf32, #tpu.memory_space<vmem>>) dst(%dma_wait3A_175 : memref<8x128xf32, #tpu.memory_space<hbm>>)
    %add3A_179 = arith.constant 448 : i32
    %add3A_180 = arith.addi %add3A_81, %add3A_179 : i32
    %add3A_181 = arith.constant 0 : i32
    %add3A_182 = arith.addi %add3A_180, %add3A_181 : i32
    %dma_wait3A_183 = arith.constant 56 : i32
    %dma_wait3A_184 = arith.constant 0 : i32
    %dma_wait3A_185 = tpu.memref_slice %arg9[%dma_wait3A_183, %dma_wait3A_184] : memref<64x129xf32, #tpu.memory_space<vmem>> -> memref<8x128xf32, #tpu.memory_space<vmem>>
    %dma_wait3A_186 = arith.constant 0 : i32
    %dma_wait3A_187 = tpu.memref_slice %arg5[%add3A_182, %dma_wait3A_186] : memref<524288x128xf32, #tpu.memory_space<hbm>> -> memref<8x128xf32, #tpu.memory_space<hbm>>
    %dma_wait3A_188 = arith.constant 0 : i32
    %dma_wait3A_189 = tpu.memref_slice %arg5[%add3A_182, %dma_wait3A_188] : memref<524288x128xf32, #tpu.memory_space<hbm>> -> memref<8x128xf32, #tpu.memory_space<hbm>>
    %dma_wait3A_190 = arith.constant 56 : i32
    %dma_wait3A_191 = arith.constant 0 : i32
    %dma_wait3A_192 = tpu.memref_slice %arg9[%dma_wait3A_190, %dma_wait3A_191] : memref<64x129xf32, #tpu.memory_space<vmem>> -> memref<8x128xf32, #tpu.memory_space<vmem>>
    tpu.wait_dma2 semaphore(%arg14 : memref<!tpu.dma_semaphore, #tpu.memory_space<semaphore_mem>>) src(%dma_wait3A_192 : memref<8x128xf32, #tpu.memory_space<vmem>>) dst(%dma_wait3A_189 : memref<8x128xf32, #tpu.memory_space<hbm>>)
    %add3A_193 = arith.constant 32640 : i32
    %add3A_194 = arith.addi %mul3A_2, %add3A_193 : i32
    %jit3A_195 = arith.constant 1024 : i32
    %div3A_196 = arith.divsi %add3A_194, %jit3A_195 : i32
    %sign3A_197 = arith.constant 0 : i32
    %sign3A_198 = arith.cmpi sgt, %add3A_194, %sign3A_197 : i32
    %sign3A_199 = arith.extui %sign3A_198 : i1 to i32
    %sign3A_200 = arith.constant 0 : i32
    %sign3A_201 = arith.cmpi slt, %add3A_194, %sign3A_200 : i32
    %sign3A_202 = arith.extui %sign3A_201 : i1 to i32
    %sign3A_203 = arith.subi %sign3A_199, %sign3A_202 : i32
    %sign3A_204 = arith.constant 0 : i32
    %sign3A_205 = arith.cmpi sgt, %jit3A_195, %sign3A_204 : i32
    %sign3A_206 = arith.extui %sign3A_205 : i1 to i32
    %sign3A_207 = arith.constant 0 : i32
    %sign3A_208 = arith.cmpi slt, %jit3A_195, %sign3A_207 : i32
    %sign3A_209 = arith.extui %sign3A_208 : i1 to i32
    %sign3A_210 = arith.subi %sign3A_206, %sign3A_209 : i32
    %ne3A_211 = arith.cmpi ne, %sign3A_203, %sign3A_210 : i32
    %rem3A_212 = arith.remsi %add3A_194, %jit3A_195 : i32
    %ne3A_213 = arith.constant 0 : i32
    %ne3A_214 = arith.cmpi ne, %rem3A_212, %ne3A_213 : i32
    %and3A_215 = arith.andi %ne3A_211, %ne3A_214 : i1
    %sub3A_216 = arith.constant 1 : i32
    %sub3A_217 = arith.subi %div3A_196, %sub3A_216 : i32
    %select_n3A_218 = arith.select %and3A_215, %sub3A_217, %div3A_196 : i32
    %rem3A_219 = arith.constant 1024 : i32
    %rem3A_220 = arith.remsi %add3A_194, %rem3A_219 : i32
    %jit3A_221 = arith.constant 128 : i32
    %div3A_222 = arith.divsi %rem3A_220, %jit3A_221 : i32
    %sign3A_223 = arith.constant 0 : i32
    %sign3A_224 = arith.cmpi sgt, %rem3A_220, %sign3A_223 : i32
    %sign3A_225 = arith.extui %sign3A_224 : i1 to i32
    %sign3A_226 = arith.constant 0 : i32
    %sign3A_227 = arith.cmpi slt, %rem3A_220, %sign3A_226 : i32
    %sign3A_228 = arith.extui %sign3A_227 : i1 to i32
    %sign3A_229 = arith.subi %sign3A_225, %sign3A_228 : i32
    %sign3A_230 = arith.constant 0 : i32
    %sign3A_231 = arith.cmpi sgt, %jit3A_221, %sign3A_230 : i32
    %sign3A_232 = arith.extui %sign3A_231 : i1 to i32
    %sign3A_233 = arith.constant 0 : i32
    %sign3A_234 = arith.cmpi slt, %jit3A_221, %sign3A_233 : i32
    %sign3A_235 = arith.extui %sign3A_234 : i1 to i32
    %sign3A_236 = arith.subi %sign3A_232, %sign3A_235 : i32
    %ne3A_237 = arith.cmpi ne, %sign3A_229, %sign3A_236 : i32
    %rem3A_238 = arith.remsi %rem3A_220, %jit3A_221 : i32
    %ne3A_239 = arith.constant 0 : i32
    %ne3A_240 = arith.cmpi ne, %rem3A_238, %ne3A_239 : i32
    %and3A_241 = arith.andi %ne3A_237, %ne3A_240 : i1
    %sub3A_242 = arith.constant 1 : i32
    %sub3A_243 = arith.subi %div3A_222, %sub3A_242 : i32
    %select_n3A_244 = arith.select %and3A_241, %sub3A_243, %div3A_222 : i32
    %mul3A_245 = arith.constant 512 : i32
    %mul3A_246 = arith.muli %select_n3A_218, %mul3A_245 : i32
    %mul3A_247 = arith.constant 8 : i32
    %mul3A_248 = arith.muli %select_n3A_244, %mul3A_247 : i32
    %add3A_249 = arith.addi %mul3A_246, %mul3A_248 : i32
    %add3A_250 = arith.constant 0 : i32
    %add3A_251 = arith.addi %add3A_249, %add3A_250 : i32
    %add3A_252 = arith.constant 0 : i32
    %add3A_253 = arith.addi %add3A_251, %add3A_252 : i32
    %dma_wait3A_254 = arith.constant 0 : i32
    %dma_wait3A_255 = arith.constant 0 : i32
    %dma_wait3A_256 = tpu.memref_slice %arg10[%dma_wait3A_254, %dma_wait3A_255] : memref<64x129xf32, #tpu.memory_space<vmem>> -> memref<8x128xf32, #tpu.memory_space<vmem>>
    %dma_wait3A_257 = arith.constant 0 : i32
    %dma_wait3A_258 = tpu.memref_slice %arg5[%add3A_253, %dma_wait3A_257] : memref<524288x128xf32, #tpu.memory_space<hbm>> -> memref<8x128xf32, #tpu.memory_space<hbm>>
    %dma_wait3A_259 = arith.constant 0 : i32
    %dma_wait3A_260 = tpu.memref_slice %arg5[%add3A_253, %dma_wait3A_259] : memref<524288x128xf32, #tpu.memory_space<hbm>> -> memref<8x128xf32, #tpu.memory_space<hbm>>
    %dma_wait3A_261 = arith.constant 0 : i32
    %dma_wait3A_262 = arith.constant 0 : i32
    %dma_wait3A_263 = tpu.memref_slice %arg10[%dma_wait3A_261, %dma_wait3A_262] : memref<64x129xf32, #tpu.memory_space<vmem>> -> memref<8x128xf32, #tpu.memory_space<vmem>>
    tpu.wait_dma2 semaphore(%arg15 : memref<!tpu.dma_semaphore, #tpu.memory_space<semaphore_mem>>) src(%dma_wait3A_263 : memref<8x128xf32, #tpu.memory_space<vmem>>) dst(%dma_wait3A_260 : memref<8x128xf32, #tpu.memory_space<hbm>>)
    %add3A_264 = arith.constant 64 : i32
    %add3A_265 = arith.addi %add3A_249, %add3A_264 : i32
    %add3A_266 = arith.constant 0 : i32
    %add3A_267 = arith.addi %add3A_265, %add3A_266 : i32
    %dma_wait3A_268 = arith.constant 8 : i32
    %dma_wait3A_269 = arith.constant 0 : i32
    %dma_wait3A_270 = tpu.memref_slice %arg10[%dma_wait3A_268, %dma_wait3A_269] : memref<64x129xf32, #tpu.memory_space<vmem>> -> memref<8x128xf32, #tpu.memory_space<vmem>>
    %dma_wait3A_271 = arith.constant 0 : i32
    %dma_wait3A_272 = tpu.memref_slice %arg5[%add3A_267, %dma_wait3A_271] : memref<524288x128xf32, #tpu.memory_space<hbm>> -> memref<8x128xf32, #tpu.memory_space<hbm>>
    %dma_wait3A_273 = arith.constant 0 : i32
    %dma_wait3A_274 = tpu.memref_slice %arg5[%add3A_267, %dma_wait3A_273] : memref<524288x128xf32, #tpu.memory_space<hbm>> -> memref<8x128xf32, #tpu.memory_space<hbm>>
    %dma_wait3A_275 = arith.constant 8 : i32
    %dma_wait3A_276 = arith.constant 0 : i32
    %dma_wait3A_277 = tpu.memref_slice %arg10[%dma_wait3A_275, %dma_wait3A_276] : memref<64x129xf32, #tpu.memory_space<vmem>> -> memref<8x128xf32, #tpu.memory_space<vmem>>
    tpu.wait_dma2 semaphore(%arg15 : memref<!tpu.dma_semaphore, #tpu.memory_space<semaphore_mem>>) src(%dma_wait3A_277 : memref<8x128xf32, #tpu.memory_space<vmem>>) dst(%dma_wait3A_274 : memref<8x128xf32, #tpu.memory_space<hbm>>)
    %add3A_278 = arith.constant 128 : i32
    %add3A_279 = arith.addi %add3A_249, %add3A_278 : i32
    %add3A_280 = arith.constant 0 : i32
    %add3A_281 = arith.addi %add3A_279, %add3A_280 : i32
    %dma_wait3A_282 = arith.constant 16 : i32
    %dma_wait3A_283 = arith.constant 0 : i32
    %dma_wait3A_284 = tpu.memref_slice %arg10[%dma_wait3A_282, %dma_wait3A_283] : memref<64x129xf32, #tpu.memory_space<vmem>> -> memref<8x128xf32, #tpu.memory_space<vmem>>
    %dma_wait3A_285 = arith.constant 0 : i32
    %dma_wait3A_286 = tpu.memref_slice %arg5[%add3A_281, %dma_wait3A_285] : memref<524288x128xf32, #tpu.memory_space<hbm>> -> memref<8x128xf32, #tpu.memory_space<hbm>>
    %dma_wait3A_287 = arith.constant 0 : i32
    %dma_wait3A_288 = tpu.memref_slice %arg5[%add3A_281, %dma_wait3A_287] : memref<524288x128xf32, #tpu.memory_space<hbm>> -> memref<8x128xf32, #tpu.memory_space<hbm>>
    %dma_wait3A_289 = arith.constant 16 : i32
    %dma_wait3A_290 = arith.constant 0 : i32
    %dma_wait3A_291 = tpu.memref_slice %arg10[%dma_wait3A_289, %dma_wait3A_290] : memref<64x129xf32, #tpu.memory_space<vmem>> -> memref<8x128xf32, #tpu.memory_space<vmem>>
    tpu.wait_dma2 semaphore(%arg15 : memref<!tpu.dma_semaphore, #tpu.memory_space<semaphore_mem>>) src(%dma_wait3A_291 : memref<8x128xf32, #tpu.memory_space<vmem>>) dst(%dma_wait3A_288 : memref<8x128xf32, #tpu.memory_space<hbm>>)
    %add3A_292 = arith.constant 192 : i32
    %add3A_293 = arith.addi %add3A_249, %add3A_292 : i32
    %add3A_294 = arith.constant 0 : i32
    %add3A_295 = arith.addi %add3A_293, %add3A_294 : i32
    %dma_wait3A_296 = arith.constant 24 : i32
    %dma_wait3A_297 = arith.constant 0 : i32
    %dma_wait3A_298 = tpu.memref_slice %arg10[%dma_wait3A_296, %dma_wait3A_297] : memref<64x129xf32, #tpu.memory_space<vmem>> -> memref<8x128xf32, #tpu.memory_space<vmem>>
    %dma_wait3A_299 = arith.constant 0 : i32
    %dma_wait3A_300 = tpu.memref_slice %arg5[%add3A_295, %dma_wait3A_299] : memref<524288x128xf32, #tpu.memory_space<hbm>> -> memref<8x128xf32, #tpu.memory_space<hbm>>
    %dma_wait3A_301 = arith.constant 0 : i32
    %dma_wait3A_302 = tpu.memref_slice %arg5[%add3A_295, %dma_wait3A_301] : memref<524288x128xf32, #tpu.memory_space<hbm>> -> memref<8x128xf32, #tpu.memory_space<hbm>>
    %dma_wait3A_303 = arith.constant 24 : i32
    %dma_wait3A_304 = arith.constant 0 : i32
    %dma_wait3A_305 = tpu.memref_slice %arg10[%dma_wait3A_303, %dma_wait3A_304] : memref<64x129xf32, #tpu.memory_space<vmem>> -> memref<8x128xf32, #tpu.memory_space<vmem>>
    tpu.wait_dma2 semaphore(%arg15 : memref<!tpu.dma_semaphore, #tpu.memory_space<semaphore_mem>>) src(%dma_wait3A_305 : memref<8x128xf32, #tpu.memory_space<vmem>>) dst(%dma_wait3A_302 : memref<8x128xf32, #tpu.memory_space<hbm>>)
    %add3A_306 = arith.constant 256 : i32
    %add3A_307 = arith.addi %add3A_249, %add3A_306 : i32
    %add3A_308 = arith.constant 0 : i32
    %add3A_309 = arith.addi %add3A_307, %add3A_308 : i32
    %dma_wait3A_310 = arith.constant 32 : i32
    %dma_wait3A_311 = arith.constant 0 : i32
    %dma_wait3A_312 = tpu.memref_slice %arg10[%dma_wait3A_310, %dma_wait3A_311] : memref<64x129xf32, #tpu.memory_space<vmem>> -> memref<8x128xf32, #tpu.memory_space<vmem>>
    %dma_wait3A_313 = arith.constant 0 : i32
    %dma_wait3A_314 = tpu.memref_slice %arg5[%add3A_309, %dma_wait3A_313] : memref<524288x128xf32, #tpu.memory_space<hbm>> -> memref<8x128xf32, #tpu.memory_space<hbm>>
    %dma_wait3A_315 = arith.constant 0 : i32
    %dma_wait3A_316 = tpu.memref_slice %arg5[%add3A_309, %dma_wait3A_315] : memref<524288x128xf32, #tpu.memory_space<hbm>> -> memref<8x128xf32, #tpu.memory_space<hbm>>
    %dma_wait3A_317 = arith.constant 32 : i32
    %dma_wait3A_318 = arith.constant 0 : i32
    %dma_wait3A_319 = tpu.memref_slice %arg10[%dma_wait3A_317, %dma_wait3A_318] : memref<64x129xf32, #tpu.memory_space<vmem>> -> memref<8x128xf32, #tpu.memory_space<vmem>>
    tpu.wait_dma2 semaphore(%arg15 : memref<!tpu.dma_semaphore, #tpu.memory_space<semaphore_mem>>) src(%dma_wait3A_319 : memref<8x128xf32, #tpu.memory_space<vmem>>) dst(%dma_wait3A_316 : memref<8x128xf32, #tpu.memory_space<hbm>>)
    %add3A_320 = arith.constant 320 : i32
    %add3A_321 = arith.addi %add3A_249, %add3A_320 : i32
    %add3A_322 = arith.constant 0 : i32
    %add3A_323 = arith.addi %add3A_321, %add3A_322 : i32
    %dma_wait3A_324 = arith.constant 40 : i32
    %dma_wait3A_325 = arith.constant 0 : i32
    %dma_wait3A_326 = tpu.memref_slice %arg10[%dma_wait3A_324, %dma_wait3A_325] : memref<64x129xf32, #tpu.memory_space<vmem>> -> memref<8x128xf32, #tpu.memory_space<vmem>>
    %dma_wait3A_327 = arith.constant 0 : i32
    %dma_wait3A_328 = tpu.memref_slice %arg5[%add3A_323, %dma_wait3A_327] : memref<524288x128xf32, #tpu.memory_space<hbm>> -> memref<8x128xf32, #tpu.memory_space<hbm>>
    %dma_wait3A_329 = arith.constant 0 : i32
    %dma_wait3A_330 = tpu.memref_slice %arg5[%add3A_323, %dma_wait3A_329] : memref<524288x128xf32, #tpu.memory_space<hbm>> -> memref<8x128xf32, #tpu.memory_space<hbm>>
    %dma_wait3A_331 = arith.constant 40 : i32
    %dma_wait3A_332 = arith.constant 0 : i32
    %dma_wait3A_333 = tpu.memref_slice %arg10[%dma_wait3A_331, %dma_wait3A_332] : memref<64x129xf32, #tpu.memory_space<vmem>> -> memref<8x128xf32, #tpu.memory_space<vmem>>
    tpu.wait_dma2 semaphore(%arg15 : memref<!tpu.dma_semaphore, #tpu.memory_space<semaphore_mem>>) src(%dma_wait3A_333 : memref<8x128xf32, #tpu.memory_space<vmem>>) dst(%dma_wait3A_330 : memref<8x128xf32, #tpu.memory_space<hbm>>)
    %add3A_334 = arith.constant 384 : i32
    %add3A_335 = arith.addi %add3A_249, %add3A_334 : i32
    %add3A_336 = arith.constant 0 : i32
    %add3A_337 = arith.addi %add3A_335, %add3A_336 : i32
    %dma_wait3A_338 = arith.constant 48 : i32
    %dma_wait3A_339 = arith.constant 0 : i32
    %dma_wait3A_340 = tpu.memref_slice %arg10[%dma_wait3A_338, %dma_wait3A_339] : memref<64x129xf32, #tpu.memory_space<vmem>> -> memref<8x128xf32, #tpu.memory_space<vmem>>
    %dma_wait3A_341 = arith.constant 0 : i32
    %dma_wait3A_342 = tpu.memref_slice %arg5[%add3A_337, %dma_wait3A_341] : memref<524288x128xf32, #tpu.memory_space<hbm>> -> memref<8x128xf32, #tpu.memory_space<hbm>>
    %dma_wait3A_343 = arith.constant 0 : i32
    %dma_wait3A_344 = tpu.memref_slice %arg5[%add3A_337, %dma_wait3A_343] : memref<524288x128xf32, #tpu.memory_space<hbm>> -> memref<8x128xf32, #tpu.memory_space<hbm>>
    %dma_wait3A_345 = arith.constant 48 : i32
    %dma_wait3A_346 = arith.constant 0 : i32
    %dma_wait3A_347 = tpu.memref_slice %arg10[%dma_wait3A_345, %dma_wait3A_346] : memref<64x129xf32, #tpu.memory_space<vmem>> -> memref<8x128xf32, #tpu.memory_space<vmem>>
    tpu.wait_dma2 semaphore(%arg15 : memref<!tpu.dma_semaphore, #tpu.memory_space<semaphore_mem>>) src(%dma_wait3A_347 : memref<8x128xf32, #tpu.memory_space<vmem>>) dst(%dma_wait3A_344 : memref<8x128xf32, #tpu.memory_space<hbm>>)
    %add3A_348 = arith.constant 448 : i32
    %add3A_349 = arith.addi %add3A_249, %add3A_348 : i32
    %add3A_350 = arith.constant 0 : i32
    %add3A_351 = arith.addi %add3A_349, %add3A_350 : i32
    %dma_wait3A_352 = arith.constant 56 : i32
    %dma_wait3A_353 = arith.constant 0 : i32
    %dma_wait3A_354 = tpu.memref_slice %arg10[%dma_wait3A_352, %dma_wait3A_353] : memref<64x129xf32, #tpu.memory_space<vmem>> -> memref<8x128xf32, #tpu.memory_space<vmem>>
    %dma_wait3A_355 = arith.constant 0 : i32
    %dma_wait3A_356 = tpu.memref_slice %arg5[%add3A_351, %dma_wait3A_355] : memref<524288x128xf32, #tpu.memory_space<hbm>> -> memref<8x128xf32, #tpu.memory_space<hbm>>
    %dma_wait3A_357 = arith.constant 0 : i32
    %dma_wait3A_358 = tpu.memref_slice %arg5[%add3A_351, %dma_wait3A_357] : memref<524288x128xf32, #tpu.memory_space<hbm>> -> memref<8x128xf32, #tpu.memory_space<hbm>>
    %dma_wait3A_359 = arith.constant 56 : i32
    %dma_wait3A_360 = arith.constant 0 : i32
    %dma_wait3A_361 = tpu.memref_slice %arg10[%dma_wait3A_359, %dma_wait3A_360] : memref<64x129xf32, #tpu.memory_space<vmem>> -> memref<8x128xf32, #tpu.memory_space<vmem>>
    tpu.wait_dma2 semaphore(%arg15 : memref<!tpu.dma_semaphore, #tpu.memory_space<semaphore_mem>>) src(%dma_wait3A_361 : memref<8x128xf32, #tpu.memory_space<vmem>>) dst(%dma_wait3A_358 : memref<8x128xf32, #tpu.memory_space<hbm>>)
    return
  }
}

</mosaic_0001>

<sc_bundles>
// kernel: kernel.3.cloned.1.call-start
scs
__scs_entry_jumppad:
0x0: {  	(pc) =	sbr.rel $0x88, $3  }
0x1: {  	(tag) =	ssettag $0x0;
	lr =	simm.s32 $0x1  }
0x2: {  	[smem:$0x3F9F] =	sst lr;
	_ =	strace $0xD0000000  }
0x3: {  	_ = 	snop  }
0x4: {  	_ = 	snop  }
0x5: {  	_ = 	snop  }
0x6: {  	_ = 	snop  }
0x7: {  	_ = 	snop  }
__scs_overlays_trampoline_lowered:
0x8: {  	[smem:$0x3FAE] =	sst s0  }
0x9: {  	[smem:$0x3FAF] =	sst s1  }
0xa: {  	[smem:$0x3FB0] =	sst s2  }
0xb: {  	[smem:$0x3FB1] =	sst s3  }
0xc: {  	[smem:$0x3FB2] =	sst s4  }
0xd: {  	[smem:$0x3FB3] =	sst s5  }
0xe: {  	[smem:$0x3FB4] =	sst s6  }
0xf: {  	[smem:$0x3FB5] =	sst s7  }
0x10: {  	[smem:$0x3FB6] =	sst s8  }
0x11: {  	[smem:$0x3FB7] =	sst s9;
	s0 =	simm.s32 @!p0 $0x0  }
0x12: {  	s1 =	sld [smem:$0x3F9D];
	s0 =	simm.s32 @p0 $0x1  }
0x13: {  	[smem:$0x3FB8] =	sst s0;
	s0 =	simm.s32 @!p1 $0x0  }
0x14: {  	s2 =	sld [smem:$0x3F9C];
	s0 =	simm.s32 @p1 $0x1  }
0x15: {  	[smem:$0x3FB9] =	sst s0;
	s0 =	simm.s32 @!p2 $0x0  }
0x16: {  	s3 =	sld [smem:$0x3FDB];
	s0 =	simm.s32 @p2 $0x1  }
0x17: {  	s4 =	simm.s32 $0x1BF5;
	[smem:$0x3FBB] =	sst s0  }
0x18: {  	s0 =	sld [smem:$0x3F9E];
	_ =	swait.ge [sflag:s4], $0x0  }
0x19: {  	s7 =	sld [smem:$0x3F9F]  }
0x1a: {  	s8 =	sadd.s32 $0xFFFFE003, lr  }
0x1b: {  	s9 =	sadd.s32 $0xFFFFFEF7, lr;
	s5 =	simm.s32 $0xFFFFFFFF;
	p2 =	slt.u32 s8, $0xFFFFF086  }
0x1c: {  	p1 =	slt.u32 s9, $0xF7A;
	s5 =	simm.s32 @!p2 $0x0  }
0x1d: {  	s5 =	simm.s32 @p1 $0x1;
	p0 =	seq.s32 s7, s2  }
0x1e: {  	s7 =	smul.u32 @!p0 $0xF7A, s2;
	p2 =	seq.s32 @!p0 s5, $0x0  }
0x1f: {  	s9 =	smul.u32 $0xF7A, s1;
	s8 =	simm.s32 @!p0 $0x1BF5;
	p2 =	por !p2, p0  }
0x20: {  	[sflag:s8] =	ssyncset.s32 @!p0 $0xFFFFF086;
	s6 =	sadd.s32 @!p0 s3, s7;
	s7 =	simm.s32 @!p0 $0x108  }
0x21: {  	s3 =	sadd.s32 s3, s9;
	s6 =	sadd.s32 @!p0 $0x88, s6;
	s7 =	simm.s32 @p2 $0x1082  }
0x22: {  	[simem:s7], [sflag:s8] =	dma.local @!p0 [hbm:s6], $0xF7A  }
0x23: {  	s9 =	sor.u32 $0xD0000000, s2;
	s6 =	simm.s32 $0x108;
	_ =	swait.ge @!p0 [sflag:s8], $0x0  }
0x24: {  	s3 =	sadd.s32 $0x88, s3;
	s6 =	simm.s32 @!p1 $0x1082;
	[sflag:s4] =	ssyncset.s32 $0xFFFFF086  }
0x25: {  	[simem:s6], [sflag:s4] =	dma.local [hbm:s3], $0xF7A  }
0x26: {  	[smem:$0x3F9F] =	sst s1;
	(tag) =	ssettag s2;
	_ =	strace s9  }
0x27: {  	s1 =	sld [smem:$0x3FAF]  }
0x28: {  	s2 =	sld [smem:$0x3FB0]  }
0x29: {  	s4 =	sld [smem:$0x3FB2]  }
0x2a: {  	p0 =	seq.s32 s5, $0x0;
	s5 =	sld [smem:$0x3FB3]  }
0x2b: {  	s6 =	sld [smem:$0x3FB4]  }
0x2c: {  	s7 =	sld [smem:$0x3FB5]  }
0x2d: {  	s3 =	simm.s32 $0x108;
	s8 =	sld [smem:$0x3FB6]  }
0x2e: {  	s3 =	simm.s32 @!p0 $0x1082;
	s9 =	sld [smem:$0x3FB7]  }
0x2f: {  	lr =	sadd.s32 s0, s3;
	s0 =	sld [smem:$0x3FAE]  }
0x30: {  	s3 =	sld [smem:$0x3FB1]  }
0x31: {  	[smem:$0x3FBA] =	sst s10  }
0x32: {  	s10 =	sld [smem:$0x3FB8];
	_ =	sdelay $0x3  }
0x33: {  	p0 =	seq.s32 s10, $0x1;
	s10 =	sld [smem:$0x3FBA];
	_ =	sdelay $0x3  }
0x34: {  	[smem:$0x3FBA] =	sst s10  }
0x35: {  	s10 =	sld [smem:$0x3FB9];
	_ =	sdelay $0x3  }
0x36: {  	p1 =	seq.s32 s10, $0x1;
	s10 =	sld [smem:$0x3FBA];
	_ =	sdelay $0x3  }
0x37: {  	[smem:$0x3FBA] =	sst s10  }
0x38: {  	s10 =	sld [smem:$0x3FBB]  }
0x39: {  	_ = 	snop;
	(pc) =	sbr.ind lr, $3  }
0x3a: {  	_ = 	snop  }
0x3b: {  	_ = 	snop  }
0x3c: {  	p2 =	seq.s32 s10, $0x1;
	s10 =	sld [smem:$0x3FBA]  }
0x3d: {  	_ =	shalt  }
0x3e: {  	_ =	shalt  }
0x3f: {  	_ =	shalt  }
0x40: {  	_ =	shalt  }
0x41: {  	_ =	shalt  }
0x42: {  	_ =	shalt  }
0x43: {  	_ =	shalt  }
0x44: {  	_ =	shalt  }
0x45: {  	_ =	shalt  }
0x46: {  	_ =	shalt  }
0x47: {  	_ =	shalt  }
0x48: {  	_ =	shalt  }
0x49: {  	_ =	shalt  }
0x4a: {  	_ =	shalt  }
0x4b: {  	_ =	shalt  }
0x4c: {  	_ =	shalt  }
0x4d: {  	_ =	shalt  }
0x4e: {  	_ =	shalt  }
0x4f: {  	_ =	shalt  }
0x50: {  	_ =	shalt  }
0x51: {  	_ =	shalt  }
0x52: {  	_ =	shalt  }
0x53: {  	_ =	shalt  }
0x54: {  	_ =	shalt  }
0x55: {  	_ =	shalt  }
0x56: {  	_ =	shalt  }
0x57: {  	_ =	shalt  }
0x58: {  	_ =	shalt  }
0x59: {  	_ =	shalt  }
0x5a: {  	_ =	shalt  }
0x5b: {  	_ =	shalt  }
0x5c: {  	_ =	shalt  }
0x5d: {  	_ =	shalt  }
0x5e: {  	_ =	shalt  }
0x5f: {  	_ =	shalt  }
0x60: {  	_ =	shalt  }
0x61: {  	_ =	shalt  }
0x62: {  	_ =	shalt  }
0x63: {  	_ =	shalt  }
0x64: {  	_ =	shalt  }
0x65: {  	_ =	shalt  }
0x66: {  	_ =	shalt  }
0x67: {  	_ =	shalt  }
0x68: {  	_ =	shalt  }
0x69: {  	_ =	shalt  }
0x6a: {  	_ =	shalt  }
0x6b: {  	_ =	shalt  }
0x6c: {  	_ =	shalt  }
0x6d: {  	_ =	shalt  }
0x6e: {  	_ =	shalt  }
0x6f: {  	_ =	shalt  }
0x70: {  	_ =	shalt  }
0x71: {  	_ =	shalt  }
0x72: {  	_ =	shalt  }
0x73: {  	_ =	shalt  }
0x74: {  	_ =	shalt  }
0x75: {  	_ =	shalt  }
0x76: {  	_ =	shalt  }
0x77: {  	_ =	shalt  }
0x78: {  	_ =	shalt  }
0x79: {  	_ =	shalt  }
0x7a: {  	_ =	shalt  }
0x7b: {  	_ =	shalt  }
0x7c: {  	_ =	shalt  }
0x7d: {  	_ =	shalt  }
0x7e: {  	_ =	shalt  }
0x7f: {  	_ =	shalt  }
0x80: {  	_ =	shalt  }
0x81: {  	_ =	shalt  }
0x82: {  	_ =	shalt  }
0x83: {  	_ =	shalt  }
0x84: {  	_ =	shalt  }
0x85: {  	_ =	shalt  }
0x86: {  	_ =	shalt  }
0x87: {  	_ =	shalt  }
.Lfunc_end0:
.L_simem_size_0:
called_computation_lowered:
.L_overlay_start_0:
0x88: {  	s2 =	sld [smem:$0x3FD9]  }
0x89: {  	s3 =	sld [smem:$0x3FFE];
	_ =	sdelay $0x1  }
0x8a: {  	s1 =	srdreg.scid  }
0x8b: {  	s0 =	sand.u32 $0x1, s1  }
0x8c: {  	s17 =	sshll.u32 s0, $0xA;
	s2 =	sadd.s32 s3, s2  }
0x8d: {  	s2 =	sadd.s32 s2, s17  }
0x8e: {  	[smem:$0x3FC6] =	sst s2  }
0x8f: {  	_ = 	snop  }
0x90: {  	s2 =	sld [smem:$0x3FD0];
	(tm) =	ssettm $0x1  }
0x91: {  	s18 =	sld [smem:$0x3FFB];
	_ =	sdelay $0x3  }
0x92: {  	_ =	strace s18  }
0x93: {  	s3 =	sld [smem:$0x3FFC];
	_ =	sdelay $0x3  }
0x94: {  	_ =	strace s3  }
0x95: {  	s3 =	sld [smem:$0x3FFD];
	_ =	sdelay $0x3  }
0x96: {  	_ =	strace s3  }
0x97: {  	_ =	strace $0x8FFFFFFF  }
0x98: {  	s19 =	sld [smem:$0x3FDB];
	_ =	sdelay $0x1  }
0x99: {  	s4 =	simm.s32 $_scs_section_size  }
0x9a: {  	s5 =	simm.s32 $_size__tile_overlayer_lowered;
	s6 =	simm.s32 $_tile_overlayer_lowered  }
0x9b: {  	s22 =	simm.s32 $0x1BFF;
	s21 =	sshll.u32 s6, $0x1;
	s3 =	sadd.s32 s4, s19  }
0x9c: {  	s7 =	simm.s32 $0x0;
	s20 =	sshll.u32 s5, $0x1;
	s5 =	sadd.s32 s21, s3  }
0x9d: {  	[timem:s7], [sflag:s22] =	dma.local [hbm:s5], s20  }
0x9e: {  	_ =	swait.ge [sflag:s22], s20  }
0x9f: {  	s4 =	ssub.s32 $0x0, s20;
	[sflag:s22] =	ssyncset.done $0x0  }
0xa0: {  	[sflag:s22] =	ssyncadd.s32 s4;
	_ =	sdelay $0x1  }
0xa1: {  	s23 =	simm.s32 $0x1B8B  }
0xa2: {  	_ =	swait.ge [sflag:s23], $0x1  }
0xa3: {  	[sflag:s23] =	ssyncset.done $0x0  }
0xa4: {  	s25 =	simm.s32 $0x1B8E;
	s24 =	sld [smem:$0x3FFE];
	[sflag:s23] =	ssyncadd.s32 $0xFFFFFFFF  }
0xa5: {  	s26 =	simm.s32 $execute0_lowered;
	[smem:$0x3FD2] =	sst s25  }
0xa6: {  	s5 =	sshll.u32 s26, $0x1;
	_ =	strace $0x80000046;
	[dreg:$0x1] =	wrdreg $0xFFFFFFFF  }
0xa7: {  	s28 =	simm.s32 $_size_execute0_lowered;
	s3 =	sadd.s32 s3, s5;
	[dreg:$0x0] =	wrdreg $0x0  }
0xa8: {  	s5 =	sshll.u32 s28, $0x1;
	[dreg:$0x2] =	wrdreg s3  }
0xa9: {  	[dreg:$0x3] =	wrdreg s5  }
0xaa: {  	[dreg:$0x4] =	wrdreg $0xC0  }
0xab: {  	_ =	task [dreg:s7], $0x5FFFF  }
0xac: {  	[dreg:$0x1] =	wrdreg $0xFFFFFFFF  }
0xad: {  	[dreg:$0x0] =	wrdreg $0x60  }
0xae: {  	[dreg:$0x2] =	wrdreg s24  }
0xaf: {  	[dreg:$0x3] =	wrdreg s2  }
0xb0: {  	[dreg:$0x4] =	wrdreg $0x9  }
0xb1: {  	_ =	task.clear_ibuf [dreg:s7], $0x5FFFF;
	_ =	strace $0x90000046  }
0xb2: {  	s29 =	simm.s32 $0x9;
	_ =	strace $0x80000048  }
0xb3: {  	_ =	swait.ge [sflag:s29], $0x1  }
0xb4: {  	[sflag:s29] =	ssyncadd.s32 $0xFFFFFFFF  }
0xb5: {  	_ =	strace $0x90000048  }
0xb6: {  	_ =	sfence  }
0xb7: {  	s30 =	sld [smem:$0x0];
	_ =	sdelay $0x2  }
0xb8: {  	s31 =	sshll.u32 s1, $0xD;
	s1 =	sshrl.u32 s1, $0x2  }
0xb9: {  	s3 =	sand.u32 $0x4000, s31;
	s1 =	sadd.s32 s1, s30  }
0xba: {  	s0 =	sor.u32 s3, s0;
	s1 =	sshll.u32 s1, $0x11  }
0xbb: {  	s0 =	sor.u32 s1, s0  }
0xbc: {  	s0 =	sadd.s32 $0x8F2B, s0  }
0xbd: {  	[sflag:s0] =	ssyncadd.remote.s32 $0x1  }
0xbe: {  	_ =	sfence.sel $0xFFFF  }
0xbf: {  	[dreg:$0x0] =	wrdreg $0xFFFFFFFF;
	(pc) =	sbr.abs _section_cstart, $3  }
0xc0: {  	[dreg:$0x1] =	wrdreg $0xFFFFFFFF  }
0xc1: {  	_ =	task.clear_ibuf [dreg:s7], $0x2FFFF;
	_ =	strace $0x9FFFFFFF  }
0xc2: {  	(tm) =	ssettm $0x7FFFFFFF  }
0xc3: {  	_ =	shalt  }
tec
execute0_lowered:
.L_overlay_start_1:
0x0: {  	(tag) =	ssettag $0x1  }
0x1: {  	s0 =	rddreg [dreg:$0x0]  }
0x2: {  	s23 =	rddreg [dreg:$0x1]  }
0x3: {  	s3 =	simm.s32 $0x0;
	s1 =	srdreg.scid;
	s2 =	stileid.u32  }
0x4: {  	s19 =	simm.s32 $0x5;
	s7 =	simm.s32 $0x80;
	s29 =	simm.s32 $0x2  }
0x5: {  	s30 =	simm.s32 $0x4;
	s31 =	simm.s32 $0x6300;
	[smem:$0x7FF] =	sst s3  }
0x6: {  	s1 =	sand.u32 $0x1, s1;
	s2 =	sshll.u32 s2, $0x10;
	s4 =	sadd.s32 $0xC5C00, s0  }
0x7: {  	s22 =	sadd.s32 $0x600, s0;
	s0 =	sadd.s32 $0x2600, s0;
	s9 =	sadd.s32 $0x400, s23  }
0x8: {  	s10 =	sadd.s32 $0x800, s23;
	s11 =	sadd.s32 $0xC00, s23;
	s12 =	sadd.s32 $0x1000, s23  }
0x9: {  	s13 =	sadd.s32 $0x1400, s23;
	_ =	strace $0x80000047;
	[dreg:$0x4] =	wrdreg s22  }
0xa: {  	s14 =	sadd.s32 $0x1800, s23;
	s5 =	sshll.u32 s1, $0xF;
	[dreg:$0x8] =	wrdreg s0  }
0xb: {  	s1 =	ssub.s32 $0x2, s1;
	[dreg:$0x3] =	wrdreg s4;
	s5 =	sor.u32 s5, s2  }
0xc: {  	v0 =	vlaneseq.u32;
	s24 =	sshrl.u32 s1, $0x1;
	s6 =	sshrl.u32 s5, $0x3;
	s28 =	sor.u32 $0x100, s5  }
0xd: {  	v0 =	vmul.u32 $0x88, v0;
	s25 =	ssub.s32 s1, s24;
	s26 =	sadd.s32 s4, s6;
	[dreg:$0x6] =	wrdreg s28  }
0xe: {  	s15 =	sadd.s32 $0x1C00, s23;
	s0 =	smax.u32 s25, $0x1;
	[dreg:$0x5] =	wrdreg s26  }
0xf: {  	v1 =	vadd.s32 $0x880, v0;
	v2 =	vadd.s32 $0x1100, v0;
	v3 =	vadd.s32 $0x1980, v0;
	s24 =	simm.s32 $0x4100;
	s1 =	simm.s32 $0x0;
	[dreg:$0x7] =	wrdreg s0  }
.LBB2_1:
0x10: {  	[dreg:$0x9] =	wrdreg s1  }
0x11: {  	s0 =	rddreg [dreg:$0x4];
	s22 =	simm.s32 $0x8500  }
0x12: {  	[tilespmem:s22], [sflag:$0x5] =	stream.linear.gather [hbm4b:s0+s3], $0x10000, $0x38;
	[tilespmem:$0x18500] =	vst v63  }
0x13: {  	_ =	swait.ge [sflag:s19], $0x10000  }
0x14: {  	[sflag:s19] =	ssyncset.done $0x0  }
0x15: {  	s25 =	rddreg [dreg:$0x5];
	[sflag:s19] =	ssyncadd.s32 $0xFFFF0000  }
0x16: {  	[tilespmem:s3], [sflag:$0x5] =	stream.linear.gather [hbm4b:s25+s3], $0x80, $0x38;
	[tilespmem:$0x18500] =	vst v63  }
0x17: {  	s28 =	simm.s32 $0x100;
	_ =	swait.ge [sflag:s19], $0x80  }
0x18: {  	s6 =	simm.s32 $0x0;
	s8 =	simm.s32 $0x0;
	[sflag:s19] =	ssyncset.done $0x0  }
0x19: {  	s17 =	simm.s32 $0x0;
	s26 =	rddreg [dreg:$0x8];
	[sflag:s19] =	ssyncadd.s32 $0xFFFFFF80  }
0x1a: {  	[tilespmem:s28], [sflag:$0x1] =	stream.indirect.gather [hbm4b:s26+s7], $0x40, s3, s7, $0xb8;
	[tilespmem:$0x18500] =	vst v63  }
.LBB2_2:
0x1b: {  	s21 =	sshllo.u32 s17, $0x1  }
0x1c: {  	s0 =	sshll.u32 s21, $0x7  }
0x1d: {  	s16 =	sor.u32 s5, s0  }
0x1e: {  	s1 =	rddreg [dreg:$0x3];
	s0 =	sshrl.u32 s16, $0x3  }
0x1f: {  	s26 =	simm.s32 $0x80;
	s0 =	sadd.s32 s1, s0  }
0x20: {  	[tilespmem:s26], [sflag:$0x5] =	stream.linear.gather [hbm4b:s0+s3], $0x80, $0x38;
	[tilespmem:$0x18500] =	vst v63  }
0x21: {  	_ =	swait.ge [sflag:s19], $0x80  }
0x22: {  	s2 =	simm.s32 $0x2100;
	[sflag:s19] =	ssyncset.done $0x0  }
0x23: {  	s18 =	simm.s32 $0x1;
	s4 =	rddreg [dreg:$0x8];
	[sflag:s19] =	ssyncadd.s32 $0xFFFFFF80  }
0x24: {  	[tilespmem:s2], [sflag:$0x2] =	stream.indirect.gather [hbm4b:s4+s26], $0x40, s26, s26, $0xb8;
	[tilespmem:$0x18500] =	vst v63  }
0x25: {  	_ =	swait.ge [sflag:s18], $0x2000  }
0x26: {  	p0 =	seq.s32 s17, $0x0;
	[sflag:s18] =	ssyncset.done $0x0  }
0x27: {  	s0 =	simm.s32 @!p0 $0x3;
	[sflag:s18] =	ssyncadd.s32 $0xFFFFE000  }
0x28: {  	_ =	swait.ge @!p0 [sflag:s0], $0x400  }
0x29: {  	[sflag:s0] =	ssyncset.done @!p0 $0x0  }
0x2a: {  	[sflag:s0] =	ssyncadd.s32 @!p0 $0xFFFFFC00  }
0x2b: {  	_ =	swait.ge @!p0 [sflag:s0], $0x400  }
0x2c: {  	[sflag:s0] =	ssyncset.done @!p0 $0x0  }
0x2d: {  	[sflag:s0] =	ssyncadd.s32 @!p0 $0xFFFFFC00  }
0x2e: {  	_ =	swait.ge @!p0 [sflag:s0], $0x400  }
0x2f: {  	[sflag:s0] =	ssyncset.done @!p0 $0x0  }
0x30: {  	[sflag:s0] =	ssyncadd.s32 @!p0 $0xFFFFFC00  }
0x31: {  	_ =	swait.ge @!p0 [sflag:s0], $0x400  }
0x32: {  	[sflag:s0] =	ssyncset.done @!p0 $0x0  }
0x33: {  	[sflag:s0] =	ssyncadd.s32 @!p0 $0xFFFFFC00  }
0x34: {  	_ =	swait.ge @!p0 [sflag:s0], $0x400  }
0x35: {  	[sflag:s0] =	ssyncset.done @!p0 $0x0  }
0x36: {  	[sflag:s0] =	ssyncadd.s32 @!p0 $0xFFFFFC00  }
0x37: {  	_ =	swait.ge @!p0 [sflag:s0], $0x400  }
0x38: {  	[sflag:s0] =	ssyncset.done @!p0 $0x0  }
0x39: {  	[sflag:s0] =	ssyncadd.s32 @!p0 $0xFFFFFC00  }
0x3a: {  	_ =	swait.ge @!p0 [sflag:s0], $0x400  }
0x3b: {  	[sflag:s0] =	ssyncset.done @!p0 $0x0  }
0x3c: {  	[sflag:s0] =	ssyncadd.s32 @!p0 $0xFFFFFC00  }
0x3d: {  	_ =	swait.ge @!p0 [sflag:s0], $0x400  }
0x3e: {  	s20 =	sand.u32 $0x3, s8;
	[sflag:s0] =	ssyncset.done @!p0 $0x0  }
0x3f: {  	s28 =	simm.s32 $0x180;
	s1 =	sshll.u32 s20, $0xE;
	[sflag:s0] =	ssyncadd.s32 @!p0 $0xFFFFFC00  }
0x40: {  	s22 =	simm.s32 $0x3;
	s26 =	sadd.s32 $0x8580, s1;
	v5 =	vld [tilespmem:s28+$0x40]  }
0x41: {  	v4 =	vmov s22;
	v6 =	vld [tilespmem:s26+$0x40]  }
0x42: {  	s25 =	simm.s32 $0x0;
	v8 =	vand.u32 $0x7F, v4;
	v7 =	vld [tilespmem:s28+$0xFFFFFF80]  }
0x43: {  	v4 =	vmov s25;
	v10 =	vadd.s32 v0, v8;
	v9 =	vld [tilespmem:s26+$0xFFFFFF80]  }
0x44: {  	v12 =	vand.u32 $0x7C, v4;
	s1 =	simm.s32 $0x1;
	v11 =	vld [tilespmem:s28+$0xFFFFFFC0]  }
0x45: {  	v13 =	vadd.s32 v0, v12;
	v4 =	vmov s1;
	v14 =	vld [tilespmem:s26+$0xFFFFFFC0]  }
0x46: {  	v4 =	vand.u32 $0x7D, v4;
	v5 =	vadd.f32 v6, v5  }
0x47: {  	s2 =	simm.s32 $0x2;
	v15 =	vadd.s32 v0, v4;
	v17 =	vld [tilespmem:s26+$0x0]  }
0x48: {  	v16 =	vmov s2;
	v6 =	vld [tilespmem:s28+$0x0];
	v7 =	vadd.f32 v9, v7;
	[tilespmem:v10+s24+$0x0] =	vst.idx.msk $0xffff, v5  }
0x49: {  	v5 =	vand.u32 $0x7E, v16;
	v9 =	vld [tilespmem:s28+$0x50]  }
0x4a: {  	[tilespmem:v13+s24+$0x0] =	vst.idx.msk $0xffff, v7;
	v7 =	vadd.f32 v14, v11;
	v10 =	vadd.s32 v0, v5;
	v11 =	vld [tilespmem:s26+$0x50]  }
0x4b: {  	v13 =	vld [tilespmem:s28+$0xFFFFFF90]  }
0x4c: {  	v14 =	vld [tilespmem:s26+$0xFFFFFF90];
	[tilespmem:v15+s24+$0x0] =	vst.idx.msk $0xffff, v7;
	v7 =	vadd.s32 v1, v8  }
0x4d: {  	v6 =	vadd.f32 v17, v6;
	v15 =	vld [tilespmem:s28+$0xFFFFFFD0]  }
0x4e: {  	v16 =	vadd.s32 v1, v12;
	v17 =	vld [tilespmem:s26+$0xFFFFFFD0]  }
0x4f: {  	[tilespmem:v10+s24+$0x0] =	vst.idx.msk $0xffff, v6;
	v6 =	vadd.f32 v11, v9  }
0x50: {  	v10 =	vadd.s32 v1, v4;
	v9 =	vld [tilespmem:s28+$0x10]  }
0x51: {  	v13 =	vadd.f32 v14, v13;
	v11 =	vld [tilespmem:s26+$0x10];
	[tilespmem:v7+s24+$0x0] =	vst.idx.msk $0xffff, v6  }
0x52: {  	v6 =	vld [tilespmem:s28+$0x60]  }
0x53: {  	v7 =	vadd.s32 v1, v5;
	[tilespmem:v16+s24+$0x0] =	vst.idx.msk $0xffff, v13;
	v13 =	vadd.f32 v17, v15;
	v14 =	vld [tilespmem:s26+$0x60]  }
0x54: {  	v15 =	vld [tilespmem:s28+$0xFFFFFFA0]  }
0x55: {  	v16 =	vld [tilespmem:s26+$0xFFFFFFA0];
	[tilespmem:v10+s24+$0x0] =	vst.idx.msk $0xffff, v13;
	v10 =	vadd.s32 v2, v8  }
0x56: {  	v9 =	vadd.f32 v11, v9  }
0x57: {  	v13 =	vadd.s32 v2, v12;
	v11 =	vld [tilespmem:s28+$0xFFFFFFE0]  }
0x58: {  	v17 =	vld [tilespmem:s26+$0xFFFFFFE0];
	[tilespmem:v7+s24+$0x0] =	vst.idx.msk $0xffff, v9;
	v6 =	vadd.f32 v14, v6  }
0x59: {  	v9 =	vld [tilespmem:s28+$0x20]  }
0x5a: {  	v15 =	vadd.f32 v16, v15;
	v14 =	vld [tilespmem:s26+$0x20];
	[tilespmem:v10+s24+$0x0] =	vst.idx.msk $0xffff, v6  }
0x5b: {  	v6 =	vld [tilespmem:s28+$0x70]  }
0x5c: {  	v7 =	vadd.s32 v2, v4;
	[tilespmem:v13+s24+$0x0] =	vst.idx.msk $0xffff, v15;
	v13 =	vld [tilespmem:s26+$0x70]  }
0x5d: {  	v15 =	vadd.s32 v2, v5;
	v16 =	vld [tilespmem:s28+$0xFFFFFFB0]  }
0x5e: {  	v18 =	vadd.s32 v3, v8;
	s18 =	simm.s32 $0x280;
	v10 =	vadd.f32 v17, v11;
	v17 =	vld [tilespmem:s26+$0xFFFFFFB0]  }
0x5f: {  	s2 =	sadd.s32 $0x100, s26;
	v8 =	vadd.s32 v3, v12;
	v12 =	vld [tilespmem:s18+$0xFFFFFF80]  }
0x60: {  	s4 =	simm.s32 $0x7;
	v11 =	vld [tilespmem:s2+$0x40];
	v9 =	vadd.f32 v14, v9  }
0x61: {  	s7 =	simm.s32 $0x80;
	s20 =	sand.u32 $0x7, s6;
	[tilespmem:v7+s24+$0x0] =	vst.idx.msk $0xffff, v10;
	v10 =	vld [tilespmem:s18+$0x40];
	v14 =	vmov s4;
	v19 =	vadd.f32 v13, v6  }
0x62: {  	s25 =	sshll.u32 s17, $0x8;
	s22 =	sshll.u32 s20, $0xD;
	s1 =	simm.s32 $0x4;
	v7 =	vld [tilespmem:s28+$0xFFFFFFF0];
	[tilespmem:v15+s24+$0x0] =	vst.idx.msk $0xffff, v9;
	v6 =	vand.u32 $0x7F, v14  }
0x63: {  	s20 =	simm.s32 $0x8;
	s22 =	sadd.s32 $0xA5F0, s22;
	s0 =	sand.u32 $0x300, s25;
	v15 =	vmov s1;
	v14 =	vld [tilespmem:s2+$0xFFFFFF80];
	v9 =	vadd.f32 v17, v16;
	v13 =	vadd.s32 v0, v6;
	[tilespmem:v18+s24+$0x0] =	vst.idx.msk $0xffff, v19  }
.LBB2_3:
0x64: {  	p1 =	slt.u32 s20, $0x7C;
	v15 =	vand.u32 $0x7C, v15;
	s4 =	sadd.s32 $0x1, s1;
	v16 =	vld [tilespmem:s18+$0xFFFFFFC0]  }
0x65: {  	v17 =	vadd.s32 v0, v15;
	v18 =	vmov s4;
	v19 =	vld [tilespmem:s2+$0xFFFFFFC0];
	[tilespmem:v8+s24+$0x0] =	vst.idx.msk $0xffff, v9  }
0x66: {  	s4 =	sadd.s32 $0x2, s1;
	s1 =	smov.u32 s20;
	v8 =	vand.u32 $0x7D, v18;
	v9 =	vld [tilespmem:s18+$0x0];
	v10 =	vadd.f32 v11, v10  }
0x67: {  	v18 =	vmov s4;
	v11 =	vadd.s32 v0, v8;
	v20 =	vld [tilespmem:s2+$0x0]  }
0x68: {  	v12 =	vadd.f32 v14, v12;
	v14 =	vand.u32 $0x7E, v18;
	[tilespmem:v13+s24+$0x0] =	vst.idx.msk $0xffff, v10;
	v10 =	vld [tilespmem:s26+$0xFFFFFFF0]  }
0x69: {  	v13 =	vadd.s32 v0, v14;
	v18 =	vld [tilespmem:s18+$0x50]  }
0x6a: {  	[tilespmem:v17+s24+$0x0] =	vst.idx.msk $0xffff, v12;
	v12 =	vadd.f32 v19, v16;
	v16 =	vld [tilespmem:s2+$0x50];
	v17 =	vadd.s32 v3, v4;
	v4 =	vmov v8  }
0x6b: {  	v8 =	vld [tilespmem:s18+$0xFFFFFF90]  }
0x6c: {  	v19 =	vld [tilespmem:s2+$0xFFFFFF90];
	[tilespmem:v11+s24+$0x0] =	vst.idx.msk $0xffff, v12;
	v9 =	vadd.f32 v20, v9;
	v11 =	vadd.s32 v1, v6  }
0x6d: {  	v12 =	vld [tilespmem:s18+$0xFFFFFFD0];
	v7 =	vadd.f32 v10, v7  }
0x6e: {  	v10 =	vadd.s32 v1, v15;
	v20 =	vld [tilespmem:s2+$0xFFFFFFD0];
	[tilespmem:v13+s24+$0x0] =	vst.idx.msk $0xffff, v9  }
0x6f: {  	v9 =	vld [tilespmem:s18+$0x10];
	v13 =	vadd.f32 v16, v18;
	[tilespmem:v17+s24+$0x0] =	vst.idx.msk $0xffff, v7  }
0x70: {  	v7 =	vadd.s32 v1, v4;
	v16 =	vld [tilespmem:s2+$0x10]  }
0x71: {  	v8 =	vadd.f32 v19, v8;
	[tilespmem:v11+s24+$0x0] =	vst.idx.msk $0xffff, v13;
	v11 =	vld [tilespmem:s28+$0x30];
	s28 =	smov.u32 s18  }
0x72: {  	v13 =	vadd.s32 v1, v14;
	v17 =	vld [tilespmem:s18+$0x60]  }
0x73: {  	[tilespmem:v10+s24+$0x0] =	vst.idx.msk $0xffff, v8;
	v8 =	vadd.f32 v20, v12;
	v10 =	vld [tilespmem:s2+$0x60]  }
0x74: {  	v12 =	vld [tilespmem:s18+$0xFFFFFFA0]  }
0x75: {  	v18 =	vld [tilespmem:s2+$0xFFFFFFA0];
	[tilespmem:v7+s24+$0x0] =	vst.idx.msk $0xffff, v8;
	v7 =	vadd.f32 v16, v9;
	v8 =	vadd.s32 v2, v6  }
0x76: {  	v9 =	vld [tilespmem:s18+$0xFFFFFFE0]  }
0x77: {  	v16 =	vadd.s32 v2, v15;
	v19 =	vld [tilespmem:s2+$0xFFFFFFE0];
	[tilespmem:v13+s24+$0x0] =	vst.idx.msk $0xffff, v7  }
0x78: {  	v7 =	vld [tilespmem:s18+$0x20];
	v10 =	vadd.f32 v10, v17  }
0x79: {  	v13 =	vadd.s32 v2, v4;
	v17 =	vld [tilespmem:s2+$0x20]  }
0x7a: {  	v12 =	vadd.f32 v18, v12;
	[tilespmem:v8+s24+$0x0] =	vst.idx.msk $0xffff, v10;
	v8 =	vld [tilespmem:s26+$0x30];
	s26 =	smov.u32 s2  }
0x7b: {  	v18 =	vadd.s32 v2, v14;
	v20 =	vld [tilespmem:s18+$0x70]  }
0x7c: {  	[tilespmem:v16+s24+$0x0] =	vst.idx.msk $0xffff, v12;
	v9 =	vadd.f32 v19, v9;
	v12 =	vld [tilespmem:s2+$0x70];
	v16 =	vadd.s32 v3, v5;
	v5 =	vmov v14  }
0x7d: {  	v19 =	vld [tilespmem:s18+$0xFFFFFFB0]  }
0x7e: {  	v21 =	vld [tilespmem:s2+$0xFFFFFFB0];
	[tilespmem:v13+s24+$0x0] =	vst.idx.msk $0xffff, v9;
	v9 =	vadd.f32 v17, v7;
	v17 =	vadd.s32 v3, v6  }
.Ltmp0:
0x7f: {  	s18 =	sadd.s32 $0x100, s18;
	v7 =	vld [tilespmem:s28+$0xFFFFFFF0];
	v6 =	vadd.f32 v8, v11;
	(pc) =	sbr.rel @p1 .LBB2_3-.Ltmp0, $4  }
0x80: {  	s4 =	sadd.s32 $0x3, s20;
	s2 =	sadd.s32 $0x100, s2;
	v8 =	vadd.s32 v3, v15;
	v10 =	vld [tilespmem:s18+$0x40];
	[tilespmem:v18+s24+$0x0] =	vst.idx.msk $0xffff, v9  }
0x81: {  	v9 =	vmov s4;
	v11 =	vld [tilespmem:s2+$0x40];
	v18 =	vadd.f32 v12, v20;
	[tilespmem:v16+s24+$0x0] =	vst.idx.msk $0xffff, v6  }
0x82: {  	v6 =	vand.u32 $0x7F, v9;
	v12 =	vld [tilespmem:s18+$0xFFFFFF80]  }
0x83: {  	s20 =	sadd.s32 $0x4, s20;
	v15 =	vmov s1;
	v13 =	vadd.s32 v0, v6;
	v14 =	vld [tilespmem:s2+$0xFFFFFF80];
	v9 =	vadd.f32 v21, v19;
	[tilespmem:v17+s24+$0x0] =	vst.idx.msk $0xffff, v18  }
0x84: {  	v15 =	vand.u32 $0x7C, v15;
	s4 =	sadd.s32 $0x1, s1;
	v16 =	vld [tilespmem:s18+$0xFFFFFFC0]  }
0x85: {  	v19 =	vld [tilespmem:s2+$0xFFFFFFC0];
	v17 =	vmov s4;
	v18 =	vadd.s32 v0, v15  }
0x86: {  	s20 =	sadd.s32 $0x2, s1;
	v20 =	vld [tilespmem:s18+$0x0];
	v17 =	vand.u32 $0x7D, v17;
	v10 =	vadd.f32 v11, v10  }
0x87: {  	v22 =	vld [tilespmem:s2+$0x0];
	v30 =	vmov s20;
	v21 =	vadd.s32 v0, v17  }
0x88: {  	v11 =	vand.u32 $0x7E, v30;
	v12 =	vadd.f32 v14, v12;
	[tilespmem:v13+s24+$0x0] =	vst.idx.msk $0xffff, v10  }
0x89: {  	v31 =	vadd.s32 v0, v11;
	v13 =	vld [tilespmem:s18+$0x50]  }
0x8a: {  	v32 =	vadd.f32 v19, v16;
	v33 =	vld [tilespmem:s2+$0x50];
	[tilespmem:v18+s24+$0x0] =	vst.idx.msk $0xffff, v12  }
0x8b: {  	v34 =	vld [tilespmem:s18+$0xFFFFFF90]  }
0x8c: {  	v36 =	vadd.s32 v1, v6;
	v35 =	vadd.f32 v22, v20;
	v18 =	vld [tilespmem:s2+$0xFFFFFF90];
	[tilespmem:v21+s24+$0x0] =	vst.idx.msk $0xffff, v32  }
0x8d: {  	v37 =	vld [tilespmem:s18+$0xFFFFFFD0]  }
0x8e: {  	v38 =	vadd.s32 v1, v15;
	[tilespmem:v31+s24+$0x0] =	vst.idx.msk $0xffff, v35;
	v39 =	vld [tilespmem:s2+$0xFFFFFFD0]  }
0x8f: {  	v10 =	vld [tilespmem:s18+$0x10];
	v40 =	vadd.f32 v33, v13  }
0x90: {  	v41 =	vadd.s32 v1, v17;
	v42 =	vld [tilespmem:s2+$0x10]  }
0x91: {  	v23 =	vld [tilespmem:s28+$0x30];
	v16 =	vadd.f32 v18, v34;
	[tilespmem:v36+s24+$0x0] =	vst.idx.msk $0xffff, v40  }
0x92: {  	v43 =	vadd.s32 v1, v11;
	v44 =	vld [tilespmem:s18+$0x60]  }
0x93: {  	v19 =	vld [tilespmem:s2+$0x60];
	[tilespmem:v38+s24+$0x0] =	vst.idx.msk $0xffff, v16;
	v45 =	vadd.f32 v39, v37  }
0x94: {  	v46 =	vld [tilespmem:s18+$0xFFFFFFA0]  }
0x95: {  	v10 =	vadd.f32 v42, v10;
	v21 =	vld [tilespmem:s2+$0xFFFFFFA0];
	[tilespmem:v41+s24+$0x0] =	vst.idx.msk $0xffff, v45  }
0x96: {  	v47 =	vadd.s32 v2, v6;
	v48 =	vld [tilespmem:s18+$0xFFFFFFE0]  }
0x97: {  	[tilespmem:v43+s24+$0x0] =	vst.idx.msk $0xffff, v10;
	v16 =	vld [tilespmem:s2+$0xFFFFFFE0]  }
0x98: {  	v49 =	vadd.s32 v2, v15;
	v12 =	vld [tilespmem:s18+$0x20]  }
0x99: {  	v50 =	vld [tilespmem:s2+$0x20];
	v18 =	vadd.f32 v19, v44  }
0x9a: {  	v51 =	vld [tilespmem:s26+$0xFFFFFFF0];
	v24 =	vadd.s32 v2, v17  }
0x9b: {  	v25 =	vld [tilespmem:s26+$0x30];
	v52 =	vadd.s32 v2, v11;
	v20 =	vadd.f32 v21, v46;
	[tilespmem:v47+s24+$0x0] =	vst.idx.msk $0xffff, v18  }
0x9c: {  	v18 =	vld [tilespmem:s18+$0x70]  }
0x9d: {  	v54 =	vld [tilespmem:s2+$0x70];
	[tilespmem:v49+s24+$0x0] =	vst.idx.msk $0xffff, v20;
	v53 =	vadd.f32 v16, v48  }
0x9e: {  	v12 =	vadd.f32 v50, v12;
	v55 =	vld [tilespmem:s18+$0xFFFFFFB0]  }
0x9f: {  	v56 =	vld [tilespmem:s2+$0xFFFFFFB0];
	[tilespmem:v24+s24+$0x0] =	vst.idx.msk $0xffff, v53  }
0xa0: {  	v4 =	vadd.s32 v3, v4;
	[tilespmem:v52+s24+$0x0] =	vst.idx.msk $0xffff, v12;
	v57 =	vld [tilespmem:s18+$0xFFFFFFF0]  }
0xa1: {  	v5 =	vadd.s32 v3, v5;
	s4 =	sor.u32 s5, s25;
	v12 =	vld [tilespmem:s18+$0x30]  }
0xa2: {  	v58 =	vadd.s32 v3, v6;
	p2 =	sne.s32 s0, $0x0;
	p1 =	seq.s32 s4, $0x0;
	v59 =	vld [tilespmem:s2+$0xFFFFFFF0]  }
0xa3: {  	v15 =	vadd.s32 v3, v15;
	p1 =	por !p1, !p2;
	v7 =	vadd.f32 v51, v7;
	v60 =	vld [tilespmem:s2+$0x30]  }
0xa4: {  	[tilespmem:v8+s24+$0x0] =	vst.idx.msk $0xffff, v9;
	v62 =	vadd.s32 v3, v17;
	p1 =	por !p1, !p1;
	v61 =	vadd.f32 v25, v23;
	s2 =	simm.s32 $0x1  }
0xa5: {  	s1 =	sshrl.u32 s4, $0xA;
	v63 =	vadd.s32 v3, v11;
	[tilespmem:v4+s24+$0x0] =	vst.idx.msk $0xffff, v7;
	v4 =	vadd.f32 v54, v18;
	s2 =	simm.s32 @!p1 $0x0  }
0xa6: {  	[tilespmem:v5+s24+$0x0] =	vst.idx.msk $0xffff, v61;
	s1 =	ssub.s32 s1, s2;
	v5 =	vadd.f32 v56, v55  }
0xa7: {  	[tilespmem:v58+s24+$0x0] =	vst.idx.msk $0xffff, v4;
	s1 =	sshll.u32 s1, $0xD;
	v4 =	vadd.f32 v59, v57  }
0xa8: {  	s1 =	sand.u32 $0x1FFFE000, s1;
	[tilespmem:v15+s24+$0x0] =	vst.idx.msk $0xffff, v5;
	v5 =	vadd.f32 v60, v12  }
0xa9: {  	s0 =	sor.u32 s0, s1;
	[tilespmem:v62+s24+$0x0] =	vst.idx.msk $0xffff, v4  }
0xaa: {  	s1 =	sadd.s32 s23, s0;
	[tilespmem:v63+s24+$0x0] =	vst.idx.msk $0xffff, v5  }
0xab: {  	[hbm4b:s1+s3] =	stream.linear.scatter [tilespmem:s24], [sflag:$0x3], $0x80, $0x38;
	[tilespmem:$0x18500] =	vst v63  }
0xac: {  	s20 =	simm.s32 $0x4188;
	s18 =	sadd.s32 $0x10, s1  }
0xad: {  	[hbm4b:s18+s3] =	stream.linear.scatter [tilespmem:s20], [sflag:$0x3], $0x80, $0x38;
	[tilespmem:$0x18500] =	vst v63  }
0xae: {  	s28 =	simm.s32 $0x4210;
	s26 =	sadd.s32 $0x20, s1  }
0xaf: {  	[hbm4b:s26+s3] =	stream.linear.scatter [tilespmem:s28], [sflag:$0x3], $0x80, $0x38;
	[tilespmem:$0x18500] =	vst v63  }
0xb0: {  	s18 =	sadd.s32 $0x30, s1;
	s20 =	simm.s32 $0x4298  }
0xb1: {  	[hbm4b:s18+s3] =	stream.linear.scatter [tilespmem:s20], [sflag:$0x3], $0x80, $0x38;
	[tilespmem:$0x18500] =	vst v63  }
0xb2: {  	s26 =	sadd.s32 $0x40, s1;
	s28 =	simm.s32 $0x4320  }
0xb3: {  	[hbm4b:s26+s3] =	stream.linear.scatter [tilespmem:s28], [sflag:$0x3], $0x80, $0x38;
	[tilespmem:$0x18500] =	vst v63  }
0xb4: {  	s4 =	sadd.s32 $0x50, s1;
	s18 =	simm.s32 $0x43A8  }
0xb5: {  	[hbm4b:s4+s3] =	stream.linear.scatter [tilespmem:s18], [sflag:$0x3], $0x80, $0x38;
	[tilespmem:$0x18500] =	vst v63  }
0xb6: {  	s20 =	sadd.s32 $0x60, s1;
	s26 =	simm.s32 $0x4430  }
0xb7: {  	[hbm4b:s20+s3] =	stream.linear.scatter [tilespmem:s26], [sflag:$0x3], $0x80, $0x38;
	[tilespmem:$0x18500] =	vst v63  }
0xb8: {  	s1 =	sadd.s32 $0x70, s1;
	s28 =	simm.s32 $0x44B8  }
0xb9: {  	[hbm4b:s1+s3] =	stream.linear.scatter [tilespmem:s28], [sflag:$0x3], $0x80, $0x38;
	[tilespmem:$0x18500] =	vst v63  }
0xba: {  	s4 =	simm.s32 $0x4540;
	s1 =	sadd.s32 s0, s9  }
0xbb: {  	[hbm4b:s1+s3] =	stream.linear.scatter [tilespmem:s4], [sflag:$0x3], $0x80, $0x38;
	[tilespmem:$0x18500] =	vst v63  }
0xbc: {  	s20 =	simm.s32 $0x45C8;
	s18 =	sadd.s32 $0x10, s1  }
0xbd: {  	[hbm4b:s18+s3] =	stream.linear.scatter [tilespmem:s20], [sflag:$0x3], $0x80, $0x38;
	[tilespmem:$0x18500] =	vst v63  }
0xbe: {  	s28 =	simm.s32 $0x4650;
	s26 =	sadd.s32 $0x20, s1  }
0xbf: {  	[hbm4b:s26+s3] =	stream.linear.scatter [tilespmem:s28], [sflag:$0x3], $0x80, $0x38;
	[tilespmem:$0x18500] =	vst v63  }
0xc0: {  	s18 =	sadd.s32 $0x30, s1;
	s20 =	simm.s32 $0x46D8  }
0xc1: {  	[hbm4b:s18+s3] =	stream.linear.scatter [tilespmem:s20], [sflag:$0x3], $0x80, $0x38;
	[tilespmem:$0x18500] =	vst v63  }
0xc2: {  	s26 =	sadd.s32 $0x40, s1;
	s28 =	simm.s32 $0x4760  }
0xc3: {  	[hbm4b:s26+s3] =	stream.linear.scatter [tilespmem:s28], [sflag:$0x3], $0x80, $0x38;
	[tilespmem:$0x18500] =	vst v63  }
0xc4: {  	s4 =	sadd.s32 $0x50, s1;
	s18 =	simm.s32 $0x47E8  }
0xc5: {  	[hbm4b:s4+s3] =	stream.linear.scatter [tilespmem:s18], [sflag:$0x3], $0x80, $0x38;
	[tilespmem:$0x18500] =	vst v63  }
0xc6: {  	s20 =	sadd.s32 $0x60, s1;
	s26 =	simm.s32 $0x4870  }
0xc7: {  	[hbm4b:s20+s3] =	stream.linear.scatter [tilespmem:s26], [sflag:$0x3], $0x80, $0x38;
	[tilespmem:$0x18500] =	vst v63  }
0xc8: {  	s1 =	sadd.s32 $0x70, s1;
	s28 =	simm.s32 $0x48F8  }
0xc9: {  	[hbm4b:s1+s3] =	stream.linear.scatter [tilespmem:s28], [sflag:$0x3], $0x80, $0x38;
	[tilespmem:$0x18500] =	vst v63  }
0xca: {  	s4 =	simm.s32 $0x4980;
	s1 =	sadd.s32 s0, s10  }
0xcb: {  	[hbm4b:s1+s3] =	stream.linear.scatter [tilespmem:s4], [sflag:$0x3], $0x80, $0x38;
	[tilespmem:$0x18500] =	vst v63  }
0xcc: {  	s20 =	simm.s32 $0x4A08;
	s18 =	sadd.s32 $0x10, s1  }
0xcd: {  	[hbm4b:s18+s3] =	stream.linear.scatter [tilespmem:s20], [sflag:$0x3], $0x80, $0x38;
	[tilespmem:$0x18500] =	vst v63  }
0xce: {  	s28 =	simm.s32 $0x4A90;
	s26 =	sadd.s32 $0x20, s1  }
0xcf: {  	[hbm4b:s26+s3] =	stream.linear.scatter [tilespmem:s28], [sflag:$0x3], $0x80, $0x38;
	[tilespmem:$0x18500] =	vst v63  }
0xd0: {  	s18 =	sadd.s32 $0x30, s1;
	s20 =	simm.s32 $0x4B18  }
0xd1: {  	[hbm4b:s18+s3] =	stream.linear.scatter [tilespmem:s20], [sflag:$0x3], $0x80, $0x38;
	[tilespmem:$0x18500] =	vst v63  }
0xd2: {  	s26 =	sadd.s32 $0x40, s1;
	s28 =	simm.s32 $0x4BA0  }
0xd3: {  	[hbm4b:s26+s3] =	stream.linear.scatter [tilespmem:s28], [sflag:$0x3], $0x80, $0x38;
	[tilespmem:$0x18500] =	vst v63  }
0xd4: {  	s4 =	sadd.s32 $0x50, s1;
	s18 =	simm.s32 $0x4C28  }
0xd5: {  	[hbm4b:s4+s3] =	stream.linear.scatter [tilespmem:s18], [sflag:$0x3], $0x80, $0x38;
	[tilespmem:$0x18500] =	vst v63  }
0xd6: {  	s20 =	sadd.s32 $0x60, s1;
	s26 =	simm.s32 $0x4CB0  }
0xd7: {  	[hbm4b:s20+s3] =	stream.linear.scatter [tilespmem:s26], [sflag:$0x3], $0x80, $0x38;
	[tilespmem:$0x18500] =	vst v63  }
0xd8: {  	s1 =	sadd.s32 $0x70, s1;
	s28 =	simm.s32 $0x4D38  }
0xd9: {  	[hbm4b:s1+s3] =	stream.linear.scatter [tilespmem:s28], [sflag:$0x3], $0x80, $0x38;
	[tilespmem:$0x18500] =	vst v63  }
0xda: {  	s4 =	simm.s32 $0x4DC0;
	s1 =	sadd.s32 s0, s11  }
0xdb: {  	[hbm4b:s1+s3] =	stream.linear.scatter [tilespmem:s4], [sflag:$0x3], $0x80, $0x38;
	[tilespmem:$0x18500] =	vst v63  }
0xdc: {  	s20 =	simm.s32 $0x4E48;
	s18 =	sadd.s32 $0x10, s1  }
0xdd: {  	[hbm4b:s18+s3] =	stream.linear.scatter [tilespmem:s20], [sflag:$0x3], $0x80, $0x38;
	[tilespmem:$0x18500] =	vst v63  }
0xde: {  	s28 =	simm.s32 $0x4ED0;
	s26 =	sadd.s32 $0x20, s1  }
0xdf: {  	[hbm4b:s26+s3] =	stream.linear.scatter [tilespmem:s28], [sflag:$0x3], $0x80, $0x38;
	[tilespmem:$0x18500] =	vst v63  }
0xe0: {  	s18 =	sadd.s32 $0x30, s1;
	s20 =	simm.s32 $0x4F58  }
0xe1: {  	[hbm4b:s18+s3] =	stream.linear.scatter [tilespmem:s20], [sflag:$0x3], $0x80, $0x38;
	[tilespmem:$0x18500] =	vst v63  }
0xe2: {  	s26 =	sadd.s32 $0x40, s1;
	s28 =	simm.s32 $0x4FE0  }
0xe3: {  	[hbm4b:s26+s3] =	stream.linear.scatter [tilespmem:s28], [sflag:$0x3], $0x80, $0x38;
	[tilespmem:$0x18500] =	vst v63  }
0xe4: {  	s4 =	sadd.s32 $0x50, s1;
	s18 =	simm.s32 $0x5068  }
0xe5: {  	[hbm4b:s4+s3] =	stream.linear.scatter [tilespmem:s18], [sflag:$0x3], $0x80, $0x38;
	[tilespmem:$0x18500] =	vst v63  }
0xe6: {  	s20 =	sadd.s32 $0x60, s1;
	s26 =	simm.s32 $0x50F0  }
0xe7: {  	[hbm4b:s20+s3] =	stream.linear.scatter [tilespmem:s26], [sflag:$0x3], $0x80, $0x38;
	[tilespmem:$0x18500] =	vst v63  }
0xe8: {  	s1 =	sadd.s32 $0x70, s1;
	s28 =	simm.s32 $0x5178  }
0xe9: {  	[hbm4b:s1+s3] =	stream.linear.scatter [tilespmem:s28], [sflag:$0x3], $0x80, $0x38;
	[tilespmem:$0x18500] =	vst v63  }
0xea: {  	s4 =	simm.s32 $0x5200;
	s1 =	sadd.s32 s0, s12  }
0xeb: {  	[hbm4b:s1+s3] =	stream.linear.scatter [tilespmem:s4], [sflag:$0x3], $0x80, $0x38;
	[tilespmem:$0x18500] =	vst v63  }
0xec: {  	s20 =	simm.s32 $0x5288;
	s18 =	sadd.s32 $0x10, s1  }
0xed: {  	[hbm4b:s18+s3] =	stream.linear.scatter [tilespmem:s20], [sflag:$0x3], $0x80, $0x38;
	[tilespmem:$0x18500] =	vst v63  }
0xee: {  	s28 =	simm.s32 $0x5310;
	s26 =	sadd.s32 $0x20, s1  }
0xef: {  	[hbm4b:s26+s3] =	stream.linear.scatter [tilespmem:s28], [sflag:$0x3], $0x80, $0x38;
	[tilespmem:$0x18500] =	vst v63  }
0xf0: {  	s18 =	sadd.s32 $0x30, s1;
	s20 =	simm.s32 $0x5398  }
0xf1: {  	[hbm4b:s18+s3] =	stream.linear.scatter [tilespmem:s20], [sflag:$0x3], $0x80, $0x38;
	[tilespmem:$0x18500] =	vst v63  }
0xf2: {  	s26 =	sadd.s32 $0x40, s1;
	s28 =	simm.s32 $0x5420  }
0xf3: {  	[hbm4b:s26+s3] =	stream.linear.scatter [tilespmem:s28], [sflag:$0x3], $0x80, $0x38;
	[tilespmem:$0x18500] =	vst v63  }
0xf4: {  	s4 =	sadd.s32 $0x50, s1;
	s18 =	simm.s32 $0x54A8  }
0xf5: {  	[hbm4b:s4+s3] =	stream.linear.scatter [tilespmem:s18], [sflag:$0x3], $0x80, $0x38;
	[tilespmem:$0x18500] =	vst v63  }
0xf6: {  	s20 =	sadd.s32 $0x60, s1;
	s26 =	simm.s32 $0x5530  }
0xf7: {  	[hbm4b:s20+s3] =	stream.linear.scatter [tilespmem:s26], [sflag:$0x3], $0x80, $0x38;
	[tilespmem:$0x18500] =	vst v63  }
0xf8: {  	s1 =	sadd.s32 $0x70, s1;
	s28 =	simm.s32 $0x55B8  }
0xf9: {  	[hbm4b:s1+s3] =	stream.linear.scatter [tilespmem:s28], [sflag:$0x3], $0x80, $0x38;
	[tilespmem:$0x18500] =	vst v63  }
0xfa: {  	s4 =	simm.s32 $0x5640;
	s1 =	sadd.s32 s0, s13  }
0xfb: {  	[hbm4b:s1+s3] =	stream.linear.scatter [tilespmem:s4], [sflag:$0x3], $0x80, $0x38;
	[tilespmem:$0x18500] =	vst v63  }
0xfc: {  	s20 =	simm.s32 $0x56C8;
	s18 =	sadd.s32 $0x10, s1  }
0xfd: {  	[hbm4b:s18+s3] =	stream.linear.scatter [tilespmem:s20], [sflag:$0x3], $0x80, $0x38;
	[tilespmem:$0x18500] =	vst v63  }
0xfe: {  	s28 =	simm.s32 $0x5750;
	s26 =	sadd.s32 $0x20, s1  }
0xff: {  	[hbm4b:s26+s3] =	stream.linear.scatter [tilespmem:s28], [sflag:$0x3], $0x80, $0x38;
	[tilespmem:$0x18500] =	vst v63  }
0x100: {  	s18 =	sadd.s32 $0x30, s1;
	s20 =	simm.s32 $0x57D8  }
0x101: {  	[hbm4b:s18+s3] =	stream.linear.scatter [tilespmem:s20], [sflag:$0x3], $0x80, $0x38;
	[tilespmem:$0x18500] =	vst v63  }
0x102: {  	s26 =	sadd.s32 $0x40, s1;
	s28 =	simm.s32 $0x5860  }
0x103: {  	[hbm4b:s26+s3] =	stream.linear.scatter [tilespmem:s28], [sflag:$0x3], $0x80, $0x38;
	[tilespmem:$0x18500] =	vst v63  }
0x104: {  	s4 =	sadd.s32 $0x50, s1;
	s18 =	simm.s32 $0x58E8  }
0x105: {  	[hbm4b:s4+s3] =	stream.linear.scatter [tilespmem:s18], [sflag:$0x3], $0x80, $0x38;
	[tilespmem:$0x18500] =	vst v63  }
0x106: {  	s20 =	sadd.s32 $0x60, s1;
	s26 =	simm.s32 $0x5970  }
0x107: {  	[hbm4b:s20+s3] =	stream.linear.scatter [tilespmem:s26], [sflag:$0x3], $0x80, $0x38;
	[tilespmem:$0x18500] =	vst v63  }
0x108: {  	s1 =	sadd.s32 $0x70, s1;
	s28 =	simm.s32 $0x59F8  }
0x109: {  	[hbm4b:s1+s3] =	stream.linear.scatter [tilespmem:s28], [sflag:$0x3], $0x80, $0x38;
	[tilespmem:$0x18500] =	vst v63  }
0x10a: {  	s4 =	simm.s32 $0x5A80;
	s1 =	sadd.s32 s0, s14  }
0x10b: {  	[hbm4b:s1+s3] =	stream.linear.scatter [tilespmem:s4], [sflag:$0x3], $0x80, $0x38;
	[tilespmem:$0x18500] =	vst v63  }
0x10c: {  	s20 =	simm.s32 $0x5B08;
	s18 =	sadd.s32 $0x10, s1  }
0x10d: {  	[hbm4b:s18+s3] =	stream.linear.scatter [tilespmem:s20], [sflag:$0x3], $0x80, $0x38;
	[tilespmem:$0x18500] =	vst v63  }
0x10e: {  	s28 =	simm.s32 $0x5B90;
	s26 =	sadd.s32 $0x20, s1  }
0x10f: {  	[hbm4b:s26+s3] =	stream.linear.scatter [tilespmem:s28], [sflag:$0x3], $0x80, $0x38;
	[tilespmem:$0x18500] =	vst v63  }
0x110: {  	s18 =	sadd.s32 $0x30, s1;
	s20 =	simm.s32 $0x5C18  }
0x111: {  	[hbm4b:s18+s3] =	stream.linear.scatter [tilespmem:s20], [sflag:$0x3], $0x80, $0x38;
	[tilespmem:$0x18500] =	vst v63  }
0x112: {  	s26 =	sadd.s32 $0x40, s1;
	s28 =	simm.s32 $0x5CA0  }
0x113: {  	[hbm4b:s26+s3] =	stream.linear.scatter [tilespmem:s28], [sflag:$0x3], $0x80, $0x38;
	[tilespmem:$0x18500] =	vst v63  }
0x114: {  	s18 =	sadd.s32 $0x50, s1;
	s20 =	simm.s32 $0x5D28  }
0x115: {  	[hbm4b:s18+s3] =	stream.linear.scatter [tilespmem:s20], [sflag:$0x3], $0x80, $0x38;
	[tilespmem:$0x18500] =	vst v63  }
0x116: {  	s26 =	sadd.s32 $0x60, s1;
	s28 =	simm.s32 $0x5DB0  }
0x117: {  	[hbm4b:s26+s3] =	stream.linear.scatter [tilespmem:s28], [sflag:$0x3], $0x80, $0x38;
	[tilespmem:$0x18500] =	vst v63  }
0x118: {  	s1 =	sadd.s32 $0x70, s1;
	s18 =	simm.s32 $0x5E38  }
0x119: {  	[hbm4b:s1+s3] =	stream.linear.scatter [tilespmem:s18], [sflag:$0x3], $0x80, $0x38;
	[tilespmem:$0x18500] =	vst v63  }
0x11a: {  	s0 =	sadd.s32 s0, s15;
	s20 =	simm.s32 $0x5EC0  }
0x11b: {  	[hbm4b:s0+s3] =	stream.linear.scatter [tilespmem:s20], [sflag:$0x3], $0x80, $0x38;
	[tilespmem:$0x18500] =	vst v63  }
0x11c: {  	s26 =	sadd.s32 $0x10, s0;
	s28 =	simm.s32 $0x5F48  }
0x11d: {  	[hbm4b:s26+s3] =	stream.linear.scatter [tilespmem:s28], [sflag:$0x3], $0x80, $0x38;
	[tilespmem:$0x18500] =	vst v63  }
0x11e: {  	s2 =	sadd.s32 $0x20, s0;
	s4 =	simm.s32 $0x5FD0  }
0x11f: {  	[hbm4b:s2+s3] =	stream.linear.scatter [tilespmem:s4], [sflag:$0x3], $0x80, $0x38;
	[tilespmem:$0x18500] =	vst v63  }
0x120: {  	s18 =	sadd.s32 $0x30, s0;
	s20 =	simm.s32 $0x6058  }
0x121: {  	[hbm4b:s18+s3] =	stream.linear.scatter [tilespmem:s20], [sflag:$0x3], $0x80, $0x38;
	[tilespmem:$0x18500] =	vst v63  }
0x122: {  	s26 =	sadd.s32 $0x40, s0;
	s28 =	simm.s32 $0x60E0  }
0x123: {  	[hbm4b:s26+s3] =	stream.linear.scatter [tilespmem:s28], [sflag:$0x3], $0x80, $0x38;
	[tilespmem:$0x18500] =	vst v63  }
0x124: {  	p1 =	sne.s32 s17, $0x7F;
	s4 =	sadd.s32 $0x50, s0;
	s18 =	simm.s32 $0x6168  }
0x125: {  	[hbm4b:s4+s3] =	stream.linear.scatter [tilespmem:s18], [sflag:$0x3], $0x80, $0x38;
	[tilespmem:$0x18500] =	vst v63  }
.Ltmp1:
0x126: {  	_ = 	snop;
	(pc) =	sbr.rel @p1 .LBB2_6-.Ltmp1, $4  }
0x127: {  	s20 =	sadd.s32 $0x60, s0;
	s26 =	simm.s32 $0x61F0  }
0x128: {  	[hbm4b:s20+s3] =	stream.linear.scatter [tilespmem:s26], [sflag:$0x3], $0x80, $0x38;
	[tilespmem:$0x18500] =	vst v63  }
0x129: {  	s0 =	sadd.s32 $0x70, s0;
	s28 =	simm.s32 $0x6278  }
0x12a: {  	[hbm4b:s0+s3] =	stream.linear.scatter [tilespmem:s28], [sflag:$0x3], $0x80, $0x38;
	[tilespmem:$0x18500] =	vst v63  }
.Ltmp2:
0x12b: {  	(pc) =	sbr.rel .LBB2_7-.Ltmp2, $4  }
0x12c: {  	_ = 	snop  }
0x12d: {  	_ =	swait.ge [sflag:s29], $0x2000  }
0x12e: {  	[sflag:s29] =	ssyncset.done $0x0  }
0x12f: {  	[sflag:s29] =	ssyncadd.s32 $0xFFFFE000  }
.LBB2_6:
0x130: {  	s0 =	rddreg [dreg:$0x6]  }
0x131: {  	s0 =	sadd.s32 s25, s0  }
0x132: {  	s1 =	rddreg [dreg:$0x3];
	s0 =	sshrl.u32 s0, $0x3  }
0x133: {  	s0 =	sadd.s32 s1, s0  }
0x134: {  	[tilespmem:s3], [sflag:$0x5] =	stream.linear.gather [hbm4b:s0+s3], $0x80, $0x38;
	[tilespmem:$0x18500] =	vst v63  }
0x135: {  	_ =	swait.ge [sflag:s19], $0x80  }
0x136: {  	s28 =	simm.s32 $0x100;
	[sflag:s19] =	ssyncset.done $0x0  }
.Ltmp3:
0x137: {  	s26 =	rddreg [dreg:$0x8];
	[sflag:s19] =	ssyncadd.s32 $0xFFFFFF80;
	(pc) =	sbr.rel @p0 .LBB2_8-.Ltmp3, $4  }
0x138: {  	[tilespmem:s28], [sflag:$0x1] =	stream.indirect.gather [hbm4b:s26+s7], $0x40, s3, s7, $0xb8;
	[tilespmem:$0x18500] =	vst v63  }
0x139: {  	_ =	swait.ge [sflag:s29], $0x2000  }
0x13a: {  	[sflag:s29] =	ssyncset.done $0x0  }
0x13b: {  	[sflag:s29] =	ssyncadd.s32 $0xFFFFE000  }
.LBB2_7:
0x13c: {  	_ =	swait.ge [sflag:s30], $0x400  }
0x13d: {  	[sflag:s30] =	ssyncset.done $0x0  }
0x13e: {  	[sflag:s30] =	ssyncadd.s32 $0xFFFFFC00  }
0x13f: {  	_ =	swait.ge [sflag:s30], $0x400  }
0x140: {  	[sflag:s30] =	ssyncset.done $0x0  }
0x141: {  	[sflag:s30] =	ssyncadd.s32 $0xFFFFFC00  }
0x142: {  	_ =	swait.ge [sflag:s30], $0x400  }
0x143: {  	[sflag:s30] =	ssyncset.done $0x0  }
0x144: {  	[sflag:s30] =	ssyncadd.s32 $0xFFFFFC00  }
0x145: {  	_ =	swait.ge [sflag:s30], $0x400  }
0x146: {  	[sflag:s30] =	ssyncset.done $0x0  }
0x147: {  	[sflag:s30] =	ssyncadd.s32 $0xFFFFFC00  }
0x148: {  	_ =	swait.ge [sflag:s30], $0x400  }
0x149: {  	[sflag:s30] =	ssyncset.done $0x0  }
0x14a: {  	[sflag:s30] =	ssyncadd.s32 $0xFFFFFC00  }
0x14b: {  	_ =	swait.ge [sflag:s30], $0x400  }
0x14c: {  	[sflag:s30] =	ssyncset.done $0x0  }
0x14d: {  	[sflag:s30] =	ssyncadd.s32 $0xFFFFFC00  }
0x14e: {  	_ =	swait.ge [sflag:s30], $0x400  }
0x14f: {  	[sflag:s30] =	ssyncset.done $0x0  }
0x150: {  	[sflag:s30] =	ssyncadd.s32 $0xFFFFFC00  }
0x151: {  	_ =	swait.ge [sflag:s30], $0x400  }
0x152: {  	[sflag:s30] =	ssyncset.done $0x0  }
0x153: {  	[sflag:s30] =	ssyncadd.s32 $0xFFFFFC00  }
.LBB2_8:
0x154: {  	s25 =	simm.s32 $0x2180;
	s0 =	simm.s32 $0x3;
	v6 =	vld [tilespmem:s22+$0xFFFFFFD0]  }
0x155: {  	v5 =	vld [tilespmem:s25+$0x40];
	v4 =	vmov s0  }
0x156: {  	s20 =	simm.s32 $0x0;
	v9 =	vld [tilespmem:s22+$0xFFFFFF10];
	v8 =	vand.u32 $0x7F, v4  }
0x157: {  	v7 =	vld [tilespmem:s25+$0xFFFFFF80];
	v4 =	vmov s20;
	v10 =	vadd.s32 v0, v8  }
0x158: {  	s26 =	simm.s32 $0x1;
	v14 =	vld [tilespmem:s22+$0xFFFFFF50];
	v11 =	vand.u32 $0x7C, v4  }
0x159: {  	v12 =	vld [tilespmem:s25+$0xFFFFFFC0];
	v4 =	vmov s26;
	v13 =	vadd.s32 v0, v11  }
0x15a: {  	v4 =	vand.u32 $0x7D, v4;
	v5 =	vadd.f32 v6, v5  }
0x15b: {  	s28 =	simm.s32 $0x2;
	v17 =	vld [tilespmem:s22+$0xFFFFFF90];
	v15 =	vadd.s32 v0, v4  }
0x15c: {  	v16 =	vmov s28;
	v6 =	vld [tilespmem:s25+$0x0];
	v7 =	vadd.f32 v9, v7;
	[tilespmem:v10+s31+$0x0] =	vst.idx.msk $0xffff, v5  }
0x15d: {  	v5 =	vand.u32 $0x7E, v16;
	v9 =	vld [tilespmem:s25+$0x50]  }
0x15e: {  	v10 =	vadd.s32 v0, v5;
	[tilespmem:v13+s31+$0x0] =	vst.idx.msk $0xffff, v7;
	v7 =	vadd.f32 v14, v12;
	v12 =	vld [tilespmem:s22+$0xFFFFFFE0]  }
0x15f: {  	v13 =	vld [tilespmem:s25+$0xFFFFFF90]  }
0x160: {  	v14 =	vld [tilespmem:s22+$0xFFFFFF20];
	[tilespmem:v15+s31+$0x0] =	vst.idx.msk $0xffff, v7;
	v7 =	vadd.s32 v1, v8  }
0x161: {  	v6 =	vadd.f32 v17, v6;
	v15 =	vld [tilespmem:s25+$0xFFFFFFD0]  }
0x162: {  	v16 =	vadd.s32 v1, v11;
	v17 =	vld [tilespmem:s22+$0xFFFFFF60]  }
0x163: {  	[tilespmem:v10+s31+$0x0] =	vst.idx.msk $0xffff, v6;
	v6 =	vadd.f32 v12, v9  }
0x164: {  	v10 =	vadd.s32 v1, v4;
	v9 =	vld [tilespmem:s25+$0x10]  }
0x165: {  	v12 =	vld [tilespmem:s22+$0xFFFFFFA0];
	v13 =	vadd.f32 v14, v13;
	[tilespmem:v7+s31+$0x0] =	vst.idx.msk $0xffff, v6  }
0x166: {  	v6 =	vld [tilespmem:s25+$0x60]  }
0x167: {  	v7 =	vadd.s32 v1, v5;
	[tilespmem:v16+s31+$0x0] =	vst.idx.msk $0xffff, v13;
	v13 =	vadd.f32 v17, v15;
	v14 =	vld [tilespmem:s22+$0xFFFFFFF0]  }
0x168: {  	v15 =	vld [tilespmem:s25+$0xFFFFFFA0]  }
0x169: {  	v16 =	vld [tilespmem:s22+$0xFFFFFF30];
	[tilespmem:v10+s31+$0x0] =	vst.idx.msk $0xffff, v13;
	v10 =	vadd.s32 v2, v8  }
0x16a: {  	v9 =	vadd.f32 v12, v9  }
0x16b: {  	v13 =	vadd.s32 v2, v11;
	v12 =	vld [tilespmem:s25+$0xFFFFFFE0]  }
0x16c: {  	v17 =	vld [tilespmem:s22+$0xFFFFFF70];
	[tilespmem:v7+s31+$0x0] =	vst.idx.msk $0xffff, v9;
	v6 =	vadd.f32 v14, v6  }
0x16d: {  	v9 =	vld [tilespmem:s25+$0x20]  }
0x16e: {  	v14 =	vld [tilespmem:s22+$0xFFFFFFB0];
	v15 =	vadd.f32 v16, v15;
	[tilespmem:v10+s31+$0x0] =	vst.idx.msk $0xffff, v6  }
0x16f: {  	v6 =	vld [tilespmem:s25+$0x70]  }
0x170: {  	v7 =	vadd.s32 v2, v4;
	[tilespmem:v13+s31+$0x0] =	vst.idx.msk $0xffff, v15;
	v13 =	vld [tilespmem:s22+$0x0]  }
0x171: {  	v15 =	vadd.s32 v2, v5;
	v16 =	vld [tilespmem:s25+$0xFFFFFFB0]  }
0x172: {  	s2 =	simm.s32 $0x2280;
	v18 =	vadd.s32 v3, v8;
	v10 =	vadd.f32 v17, v12;
	v17 =	vld [tilespmem:s22+$0xFFFFFF40]  }
0x173: {  	s0 =	sadd.s32 $0x100, s22;
	v8 =	vadd.s32 v3, v11;
	v11 =	vld [tilespmem:s2+$0xFFFFFF80]  }
0x174: {  	s1 =	simm.s32 $0x7;
	v12 =	vld [tilespmem:s0+$0xFFFFFFD0];
	v9 =	vadd.f32 v14, v9  }
0x175: {  	[tilespmem:v7+s31+$0x0] =	vst.idx.msk $0xffff, v10;
	v10 =	vld [tilespmem:s2+$0x40];
	v14 =	vmov s1;
	v19 =	vadd.f32 v13, v6  }
0x176: {  	v7 =	vld [tilespmem:s25+$0xFFFFFFF0];
	s1 =	simm.s32 $0x4;
	[tilespmem:v15+s31+$0x0] =	vst.idx.msk $0xffff, v9;
	v6 =	vand.u32 $0x7F, v14  }
0x177: {  	s18 =	simm.s32 $0x8;
	v15 =	vmov s1;
	v14 =	vld [tilespmem:s0+$0xFFFFFF10];
	v13 =	vadd.s32 v0, v6;
	v9 =	vadd.f32 v17, v16;
	[tilespmem:v18+s31+$0x0] =	vst.idx.msk $0xffff, v19  }
.LBB2_9:
0x178: {  	p0 =	slt.u32 s18, $0x7C;
	v15 =	vand.u32 $0x7C, v15;
	s4 =	sadd.s32 $0x1, s1;
	v16 =	vld [tilespmem:s2+$0xFFFFFFC0]  }
0x179: {  	v17 =	vadd.s32 v0, v15;
	v18 =	vmov s4;
	v19 =	vld [tilespmem:s0+$0xFFFFFF50];
	[tilespmem:v8+s31+$0x0] =	vst.idx.msk $0xffff, v9  }
0x17a: {  	s4 =	sadd.s32 $0x2, s1;
	s1 =	smov.u32 s18;
	v8 =	vand.u32 $0x7D, v18;
	v9 =	vld [tilespmem:s2+$0x0];
	v10 =	vadd.f32 v12, v10  }
0x17b: {  	v18 =	vmov s4;
	v12 =	vadd.s32 v0, v8;
	v20 =	vld [tilespmem:s0+$0xFFFFFF90]  }
0x17c: {  	v11 =	vadd.f32 v14, v11;
	v14 =	vand.u32 $0x7E, v18;
	[tilespmem:v13+s31+$0x0] =	vst.idx.msk $0xffff, v10;
	v10 =	vld [tilespmem:s22+$0xFFFFFF80]  }
0x17d: {  	v13 =	vadd.s32 v0, v14;
	v18 =	vld [tilespmem:s2+$0x50]  }
0x17e: {  	[tilespmem:v17+s31+$0x0] =	vst.idx.msk $0xffff, v11;
	v11 =	vadd.f32 v19, v16;
	v16 =	vld [tilespmem:s0+$0xFFFFFFE0];
	v17 =	vadd.s32 v3, v4;
	v4 =	vmov v8  }
0x17f: {  	v8 =	vld [tilespmem:s2+$0xFFFFFF90]  }
0x180: {  	v19 =	vld [tilespmem:s0+$0xFFFFFF20];
	[tilespmem:v12+s31+$0x0] =	vst.idx.msk $0xffff, v11;
	v9 =	vadd.f32 v20, v9;
	v11 =	vadd.s32 v1, v6  }
0x181: {  	v12 =	vld [tilespmem:s2+$0xFFFFFFD0];
	v7 =	vadd.f32 v10, v7  }
0x182: {  	v10 =	vadd.s32 v1, v15;
	v20 =	vld [tilespmem:s0+$0xFFFFFF60];
	[tilespmem:v13+s31+$0x0] =	vst.idx.msk $0xffff, v9  }
0x183: {  	v9 =	vld [tilespmem:s2+$0x10];
	v13 =	vadd.f32 v16, v18;
	[tilespmem:v17+s31+$0x0] =	vst.idx.msk $0xffff, v7  }
0x184: {  	v7 =	vadd.s32 v1, v4;
	v16 =	vld [tilespmem:s0+$0xFFFFFFA0]  }
0x185: {  	v8 =	vadd.f32 v19, v8;
	[tilespmem:v11+s31+$0x0] =	vst.idx.msk $0xffff, v13;
	v11 =	vld [tilespmem:s25+$0x30];
	s25 =	smov.u32 s2  }
0x186: {  	v13 =	vadd.s32 v1, v14;
	v17 =	vld [tilespmem:s2+$0x60]  }
0x187: {  	[tilespmem:v10+s31+$0x0] =	vst.idx.msk $0xffff, v8;
	v8 =	vadd.f32 v20, v12;
	v10 =	vld [tilespmem:s0+$0xFFFFFFF0]  }
0x188: {  	v12 =	vld [tilespmem:s2+$0xFFFFFFA0]  }
0x189: {  	v18 =	vld [tilespmem:s0+$0xFFFFFF30];
	[tilespmem:v7+s31+$0x0] =	vst.idx.msk $0xffff, v8;
	v7 =	vadd.f32 v16, v9;
	v8 =	vadd.s32 v2, v6  }
0x18a: {  	v9 =	vld [tilespmem:s2+$0xFFFFFFE0]  }
0x18b: {  	v16 =	vadd.s32 v2, v15;
	v19 =	vld [tilespmem:s0+$0xFFFFFF70];
	[tilespmem:v13+s31+$0x0] =	vst.idx.msk $0xffff, v7  }
0x18c: {  	v7 =	vld [tilespmem:s2+$0x20];
	v10 =	vadd.f32 v10, v17  }
0x18d: {  	v13 =	vadd.s32 v2, v4;
	v17 =	vld [tilespmem:s0+$0xFFFFFFB0]  }
0x18e: {  	v12 =	vadd.f32 v18, v12;
	[tilespmem:v8+s31+$0x0] =	vst.idx.msk $0xffff, v10;
	v8 =	vld [tilespmem:s22+$0xFFFFFFC0];
	s22 =	smov.u32 s0  }
0x18f: {  	v18 =	vadd.s32 v2, v14;
	v20 =	vld [tilespmem:s2+$0x70]  }
0x190: {  	[tilespmem:v16+s31+$0x0] =	vst.idx.msk $0xffff, v12;
	v9 =	vadd.f32 v19, v9;
	v16 =	vld [tilespmem:s0+$0x0];
	v19 =	vadd.s32 v3, v5;
	v5 =	vmov v14  }
0x191: {  	v21 =	vld [tilespmem:s2+$0xFFFFFFB0]  }
0x192: {  	v22 =	vld [tilespmem:s0+$0xFFFFFF40];
	[tilespmem:v13+s31+$0x0] =	vst.idx.msk $0xffff, v9;
	v9 =	vadd.f32 v17, v7;
	v17 =	vadd.s32 v3, v6  }
.Ltmp4:
0x193: {  	s2 =	sadd.s32 $0x100, s2;
	v7 =	vld [tilespmem:s25+$0xFFFFFFF0];
	v6 =	vadd.f32 v8, v11;
	(pc) =	sbr.rel @p0 .LBB2_9-.Ltmp4, $4  }
0x194: {  	s4 =	sadd.s32 $0x3, s18;
	s0 =	sadd.s32 $0x100, s0;
	v8 =	vadd.s32 v3, v15;
	v10 =	vld [tilespmem:s2+$0x40];
	[tilespmem:v18+s31+$0x0] =	vst.idx.msk $0xffff, v9  }
0x195: {  	v9 =	vmov s4;
	v12 =	vld [tilespmem:s0+$0xFFFFFFD0];
	v16 =	vadd.f32 v16, v20;
	[tilespmem:v19+s31+$0x0] =	vst.idx.msk $0xffff, v6  }
0x196: {  	v6 =	vand.u32 $0x7F, v9;
	v11 =	vld [tilespmem:s2+$0xFFFFFF80]  }
0x197: {  	s18 =	sadd.s32 $0x4, s18;
	v15 =	vmov s1;
	v13 =	vadd.s32 v0, v6;
	v14 =	vld [tilespmem:s0+$0xFFFFFF10];
	v9 =	vadd.f32 v22, v21;
	[tilespmem:v17+s31+$0x0] =	vst.idx.msk $0xffff, v16  }
0x198: {  	v15 =	vand.u32 $0x7C, v15;
	s4 =	sadd.s32 $0x1, s1;
	v16 =	vld [tilespmem:s2+$0xFFFFFFC0]  }
0x199: {  	v19 =	vld [tilespmem:s0+$0xFFFFFF50];
	v17 =	vmov s4;
	v18 =	vadd.s32 v0, v15  }
0x19a: {  	s20 =	sadd.s32 $0x2, s1;
	v20 =	vld [tilespmem:s2+$0x0];
	v17 =	vand.u32 $0x7D, v17;
	v10 =	vadd.f32 v12, v10  }
0x19b: {  	v22 =	vld [tilespmem:s0+$0xFFFFFF90];
	v30 =	vmov s20;
	v21 =	vadd.s32 v0, v17  }
0x19c: {  	v12 =	vand.u32 $0x7E, v30;
	v11 =	vadd.f32 v14, v11;
	[tilespmem:v13+s31+$0x0] =	vst.idx.msk $0xffff, v10  }
0x19d: {  	v31 =	vadd.s32 v0, v12;
	v13 =	vld [tilespmem:s2+$0x50]  }
0x19e: {  	v32 =	vadd.f32 v19, v16;
	v33 =	vld [tilespmem:s0+$0xFFFFFFE0];
	[tilespmem:v18+s31+$0x0] =	vst.idx.msk $0xffff, v11  }
0x19f: {  	v34 =	vld [tilespmem:s2+$0xFFFFFF90]  }
0x1a0: {  	v36 =	vadd.s32 v1, v6;
	v35 =	vadd.f32 v22, v20;
	v18 =	vld [tilespmem:s0+$0xFFFFFF20];
	[tilespmem:v21+s31+$0x0] =	vst.idx.msk $0xffff, v32  }
0x1a1: {  	v37 =	vld [tilespmem:s2+$0xFFFFFFD0]  }
0x1a2: {  	v38 =	vadd.s32 v1, v15;
	[tilespmem:v31+s31+$0x0] =	vst.idx.msk $0xffff, v35;
	v39 =	vld [tilespmem:s0+$0xFFFFFF60]  }
0x1a3: {  	v10 =	vld [tilespmem:s2+$0x10];
	v40 =	vadd.f32 v33, v13  }
0x1a4: {  	v41 =	vadd.s32 v1, v17;
	v42 =	vld [tilespmem:s0+$0xFFFFFFA0]  }
0x1a5: {  	v24 =	vld [tilespmem:s25+$0x30];
	v16 =	vadd.f32 v18, v34;
	[tilespmem:v36+s31+$0x0] =	vst.idx.msk $0xffff, v40  }
0x1a6: {  	v43 =	vadd.s32 v1, v12;
	v44 =	vld [tilespmem:s2+$0x60]  }
0x1a7: {  	v19 =	vld [tilespmem:s0+$0xFFFFFFF0];
	[tilespmem:v38+s31+$0x0] =	vst.idx.msk $0xffff, v16;
	v45 =	vadd.f32 v39, v37  }
0x1a8: {  	v46 =	vld [tilespmem:s2+$0xFFFFFFA0]  }
0x1a9: {  	v10 =	vadd.f32 v42, v10;
	v21 =	vld [tilespmem:s0+$0xFFFFFF30];
	[tilespmem:v41+s31+$0x0] =	vst.idx.msk $0xffff, v45  }
0x1aa: {  	v48 =	vadd.s32 v2, v6;
	v13 =	vld [tilespmem:s2+$0xFFFFFFE0]  }
0x1ab: {  	[tilespmem:v43+s31+$0x0] =	vst.idx.msk $0xffff, v10;
	v47 =	vld [tilespmem:s0+$0xFFFFFF70]  }
0x1ac: {  	v49 =	vadd.s32 v2, v15;
	v11 =	vld [tilespmem:s2+$0x20]  }
0x1ad: {  	v50 =	vld [tilespmem:s0+$0xFFFFFFB0];
	v18 =	vadd.f32 v19, v44  }
0x1ae: {  	v25 =	vld [tilespmem:s22+$0xFFFFFF80];
	v23 =	vadd.s32 v2, v17  }
0x1af: {  	v52 =	vld [tilespmem:s22+$0xFFFFFFC0];
	v51 =	vadd.s32 v2, v12;
	v20 =	vadd.f32 v21, v46;
	[tilespmem:v48+s31+$0x0] =	vst.idx.msk $0xffff, v18  }
0x1b0: {  	v54 =	vld [tilespmem:s2+$0x70]  }
0x1b1: {  	v56 =	vld [tilespmem:s0+$0x0];
	v53 =	vadd.f32 v47, v13;
	[tilespmem:v49+s31+$0x0] =	vst.idx.msk $0xffff, v20  }
0x1b2: {  	v11 =	vadd.f32 v50, v11;
	v55 =	vld [tilespmem:s2+$0xFFFFFFB0]  }
0x1b3: {  	v57 =	vld [tilespmem:s0+$0xFFFFFF40];
	[tilespmem:v23+s31+$0x0] =	vst.idx.msk $0xffff, v53  }
0x1b4: {  	v4 =	vadd.s32 v3, v4;
	[tilespmem:v51+s31+$0x0] =	vst.idx.msk $0xffff, v11;
	v10 =	vld [tilespmem:s2+$0xFFFFFFF0]  }
0x1b5: {  	v5 =	vadd.s32 v3, v5;
	v11 =	vld [tilespmem:s2+$0x30]  }
0x1b6: {  	v58 =	vadd.s32 v3, v6;
	v59 =	vld [tilespmem:s0+$0xFFFFFF80]  }
0x1b7: {  	v15 =	vadd.s32 v3, v15;
	v7 =	vadd.f32 v25, v7;
	v60 =	vld [tilespmem:s0+$0xFFFFFFC0]  }
0x1b8: {  	[tilespmem:v8+s31+$0x0] =	vst.idx.msk $0xffff, v9;
	v62 =	vadd.s32 v3, v17;
	v61 =	vadd.f32 v52, v24  }
0x1b9: {  	v63 =	vadd.s32 v3, v12;
	[tilespmem:v4+s31+$0x0] =	vst.idx.msk $0xffff, v7;
	v4 =	vadd.f32 v56, v54  }
0x1ba: {  	s22 =	sshrl.u32 s16, $0x1;
	s25 =	sshll.u32 s21, $0x3;
	[tilespmem:v5+s31+$0x0] =	vst.idx.msk $0xffff, v61;
	v5 =	vadd.f32 v57, v55  }
0x1bb: {  	s1 =	sand.u32 $0x38, s25;
	s0 =	sand.u32 $0x1FFFE00, s22;
	[tilespmem:v58+s31+$0x0] =	vst.idx.msk $0xffff, v4;
	v4 =	vadd.f32 v59, v10  }
0x1bc: {  	s0 =	sor.u32 s1, s0;
	[tilespmem:v15+s31+$0x0] =	vst.idx.msk $0xffff, v5;
	v5 =	vadd.f32 v60, v11  }
0x1bd: {  	s0 =	sshll.u32 s0, $0x4;
	[tilespmem:v62+s31+$0x0] =	vst.idx.msk $0xffff, v4  }
0x1be: {  	s1 =	sadd.s32 s23, s0;
	[tilespmem:v63+s31+$0x0] =	vst.idx.msk $0xffff, v5  }
0x1bf: {  	[hbm4b:s1+s3] =	stream.linear.scatter [tilespmem:s31], [sflag:$0x4], $0x80, $0x38;
	[tilespmem:$0x18500] =	vst v63  }
0x1c0: {  	s28 =	simm.s32 $0x6388;
	s26 =	sadd.s32 $0x10, s1  }
0x1c1: {  	[hbm4b:s26+s3] =	stream.linear.scatter [tilespmem:s28], [sflag:$0x4], $0x80, $0x38;
	[tilespmem:$0x18500] =	vst v63  }
0x1c2: {  	s18 =	simm.s32 $0x6410;
	s16 =	sadd.s32 $0x20, s1  }
0x1c3: {  	[hbm4b:s16+s3] =	stream.linear.scatter [tilespmem:s18], [sflag:$0x4], $0x80, $0x38;
	[tilespmem:$0x18500] =	vst v63  }
0x1c4: {  	s21 =	simm.s32 $0x6498;
	s20 =	sadd.s32 $0x30, s1  }
0x1c5: {  	[hbm4b:s20+s3] =	stream.linear.scatter [tilespmem:s21], [sflag:$0x4], $0x80, $0x38;
	[tilespmem:$0x18500] =	vst v63  }
0x1c6: {  	s25 =	simm.s32 $0x6520;
	s22 =	sadd.s32 $0x40, s1  }
0x1c7: {  	[hbm4b:s22+s3] =	stream.linear.scatter [tilespmem:s25], [sflag:$0x4], $0x80, $0x38;
	[tilespmem:$0x18500] =	vst v63  }
0x1c8: {  	s26 =	sadd.s32 $0x50, s1;
	s28 =	simm.s32 $0x65A8  }
0x1c9: {  	[hbm4b:s26+s3] =	stream.linear.scatter [tilespmem:s28], [sflag:$0x4], $0x80, $0x38;
	[tilespmem:$0x18500] =	vst v63  }
0x1ca: {  	s16 =	sadd.s32 $0x60, s1;
	s18 =	simm.s32 $0x6630  }
0x1cb: {  	[hbm4b:s16+s3] =	stream.linear.scatter [tilespmem:s18], [sflag:$0x4], $0x80, $0x38;
	[tilespmem:$0x18500] =	vst v63  }
0x1cc: {  	s1 =	sadd.s32 $0x70, s1;
	s20 =	simm.s32 $0x66B8  }
0x1cd: {  	[hbm4b:s1+s3] =	stream.linear.scatter [tilespmem:s20], [sflag:$0x4], $0x80, $0x38;
	[tilespmem:$0x18500] =	vst v63  }
0x1ce: {  	s21 =	simm.s32 $0x6740;
	s1 =	sadd.s32 s0, s9  }
0x1cf: {  	[hbm4b:s1+s3] =	stream.linear.scatter [tilespmem:s21], [sflag:$0x4], $0x80, $0x38;
	[tilespmem:$0x18500] =	vst v63  }
0x1d0: {  	s25 =	simm.s32 $0x67C8;
	s22 =	sadd.s32 $0x10, s1  }
0x1d1: {  	[hbm4b:s22+s3] =	stream.linear.scatter [tilespmem:s25], [sflag:$0x4], $0x80, $0x38;
	[tilespmem:$0x18500] =	vst v63  }
0x1d2: {  	s28 =	simm.s32 $0x6850;
	s26 =	sadd.s32 $0x20, s1  }
0x1d3: {  	[hbm4b:s26+s3] =	stream.linear.scatter [tilespmem:s28], [sflag:$0x4], $0x80, $0x38;
	[tilespmem:$0x18500] =	vst v63  }
0x1d4: {  	s16 =	simm.s32 $0x68D8;
	s4 =	sadd.s32 $0x30, s1  }
0x1d5: {  	[hbm4b:s4+s3] =	stream.linear.scatter [tilespmem:s16], [sflag:$0x4], $0x80, $0x38;
	[tilespmem:$0x18500] =	vst v63  }
0x1d6: {  	s20 =	simm.s32 $0x6960;
	s18 =	sadd.s32 $0x40, s1  }
0x1d7: {  	[hbm4b:s18+s3] =	stream.linear.scatter [tilespmem:s20], [sflag:$0x4], $0x80, $0x38;
	[tilespmem:$0x18500] =	vst v63  }
0x1d8: {  	s21 =	sadd.s32 $0x50, s1;
	s22 =	simm.s32 $0x69E8  }
0x1d9: {  	[hbm4b:s21+s3] =	stream.linear.scatter [tilespmem:s22], [sflag:$0x4], $0x80, $0x38;
	[tilespmem:$0x18500] =	vst v63  }
0x1da: {  	s25 =	sadd.s32 $0x60, s1;
	s26 =	simm.s32 $0x6A70  }
0x1db: {  	[hbm4b:s25+s3] =	stream.linear.scatter [tilespmem:s26], [sflag:$0x4], $0x80, $0x38;
	[tilespmem:$0x18500] =	vst v63  }
0x1dc: {  	s1 =	sadd.s32 $0x70, s1;
	s28 =	simm.s32 $0x6AF8  }
0x1dd: {  	[hbm4b:s1+s3] =	stream.linear.scatter [tilespmem:s28], [sflag:$0x4], $0x80, $0x38;
	[tilespmem:$0x18500] =	vst v63  }
0x1de: {  	s4 =	simm.s32 $0x6B80;
	s1 =	sadd.s32 s0, s10  }
0x1df: {  	[hbm4b:s1+s3] =	stream.linear.scatter [tilespmem:s4], [sflag:$0x4], $0x80, $0x38;
	[tilespmem:$0x18500] =	vst v63  }
0x1e0: {  	s18 =	simm.s32 $0x6C08;
	s16 =	sadd.s32 $0x10, s1  }
0x1e1: {  	[hbm4b:s16+s3] =	stream.linear.scatter [tilespmem:s18], [sflag:$0x4], $0x80, $0x38;
	[tilespmem:$0x18500] =	vst v63  }
0x1e2: {  	s21 =	simm.s32 $0x6C90;
	s20 =	sadd.s32 $0x20, s1  }
0x1e3: {  	[hbm4b:s20+s3] =	stream.linear.scatter [tilespmem:s21], [sflag:$0x4], $0x80, $0x38;
	[tilespmem:$0x18500] =	vst v63  }
0x1e4: {  	s25 =	simm.s32 $0x6D18;
	s22 =	sadd.s32 $0x30, s1  }
0x1e5: {  	[hbm4b:s22+s3] =	stream.linear.scatter [tilespmem:s25], [sflag:$0x4], $0x80, $0x38;
	[tilespmem:$0x18500] =	vst v63  }
0x1e6: {  	s28 =	simm.s32 $0x6DA0;
	s26 =	sadd.s32 $0x40, s1  }
0x1e7: {  	[hbm4b:s26+s3] =	stream.linear.scatter [tilespmem:s28], [sflag:$0x4], $0x80, $0x38;
	[tilespmem:$0x18500] =	vst v63  }
0x1e8: {  	s16 =	sadd.s32 $0x50, s1;
	s18 =	simm.s32 $0x6E28  }
0x1e9: {  	[hbm4b:s16+s3] =	stream.linear.scatter [tilespmem:s18], [sflag:$0x4], $0x80, $0x38;
	[tilespmem:$0x18500] =	vst v63  }
0x1ea: {  	s20 =	sadd.s32 $0x60, s1;
	s21 =	simm.s32 $0x6EB0  }
0x1eb: {  	[hbm4b:s20+s3] =	stream.linear.scatter [tilespmem:s21], [sflag:$0x4], $0x80, $0x38;
	[tilespmem:$0x18500] =	vst v63  }
0x1ec: {  	s1 =	sadd.s32 $0x70, s1;
	s22 =	simm.s32 $0x6F38  }
0x1ed: {  	[hbm4b:s1+s3] =	stream.linear.scatter [tilespmem:s22], [sflag:$0x4], $0x80, $0x38;
	[tilespmem:$0x18500] =	vst v63  }
0x1ee: {  	s25 =	simm.s32 $0x6FC0;
	s1 =	sadd.s32 s0, s11  }
0x1ef: {  	[hbm4b:s1+s3] =	stream.linear.scatter [tilespmem:s25], [sflag:$0x4], $0x80, $0x38;
	[tilespmem:$0x18500] =	vst v63  }
0x1f0: {  	s28 =	simm.s32 $0x7048;
	s26 =	sadd.s32 $0x10, s1  }
0x1f1: {  	[hbm4b:s26+s3] =	stream.linear.scatter [tilespmem:s28], [sflag:$0x4], $0x80, $0x38;
	[tilespmem:$0x18500] =	vst v63  }
0x1f2: {  	s18 =	simm.s32 $0x70D0;
	s16 =	sadd.s32 $0x20, s1  }
0x1f3: {  	[hbm4b:s16+s3] =	stream.linear.scatter [tilespmem:s18], [sflag:$0x4], $0x80, $0x38;
	[tilespmem:$0x18500] =	vst v63  }
0x1f4: {  	s21 =	simm.s32 $0x7158;
	s20 =	sadd.s32 $0x30, s1  }
0x1f5: {  	[hbm4b:s20+s3] =	stream.linear.scatter [tilespmem:s21], [sflag:$0x4], $0x80, $0x38;
	[tilespmem:$0x18500] =	vst v63  }
0x1f6: {  	s22 =	sadd.s32 $0x40, s1;
	s25 =	simm.s32 $0x71E0  }
0x1f7: {  	[hbm4b:s22+s3] =	stream.linear.scatter [tilespmem:s25], [sflag:$0x4], $0x80, $0x38;
	[tilespmem:$0x18500] =	vst v63  }
0x1f8: {  	s26 =	sadd.s32 $0x50, s1;
	s28 =	simm.s32 $0x7268  }
0x1f9: {  	[hbm4b:s26+s3] =	stream.linear.scatter [tilespmem:s28], [sflag:$0x4], $0x80, $0x38;
	[tilespmem:$0x18500] =	vst v63  }
0x1fa: {  	s16 =	sadd.s32 $0x60, s1;
	s18 =	simm.s32 $0x72F0  }
0x1fb: {  	[hbm4b:s16+s3] =	stream.linear.scatter [tilespmem:s18], [sflag:$0x4], $0x80, $0x38;
	[tilespmem:$0x18500] =	vst v63  }
0x1fc: {  	s1 =	sadd.s32 $0x70, s1;
	s20 =	simm.s32 $0x7378  }
0x1fd: {  	[hbm4b:s1+s3] =	stream.linear.scatter [tilespmem:s20], [sflag:$0x4], $0x80, $0x38;
	[tilespmem:$0x18500] =	vst v63  }
0x1fe: {  	s21 =	simm.s32 $0x7400;
	s1 =	sadd.s32 s0, s12  }
0x1ff: {  	[hbm4b:s1+s3] =	stream.linear.scatter [tilespmem:s21], [sflag:$0x4], $0x80, $0x38;
	[tilespmem:$0x18500] =	vst v63  }
0x200: {  	s25 =	simm.s32 $0x7488;
	s22 =	sadd.s32 $0x10, s1  }
0x201: {  	[hbm4b:s22+s3] =	stream.linear.scatter [tilespmem:s25], [sflag:$0x4], $0x80, $0x38;
	[tilespmem:$0x18500] =	vst v63  }
0x202: {  	s28 =	simm.s32 $0x7510;
	s26 =	sadd.s32 $0x20, s1  }
0x203: {  	[hbm4b:s26+s3] =	stream.linear.scatter [tilespmem:s28], [sflag:$0x4], $0x80, $0x38;
	[tilespmem:$0x18500] =	vst v63  }
0x204: {  	s16 =	simm.s32 $0x7598;
	s4 =	sadd.s32 $0x30, s1  }
0x205: {  	[hbm4b:s4+s3] =	stream.linear.scatter [tilespmem:s16], [sflag:$0x4], $0x80, $0x38;
	[tilespmem:$0x18500] =	vst v63  }
0x206: {  	s20 =	simm.s32 $0x7620;
	s18 =	sadd.s32 $0x40, s1  }
0x207: {  	[hbm4b:s18+s3] =	stream.linear.scatter [tilespmem:s20], [sflag:$0x4], $0x80, $0x38;
	[tilespmem:$0x18500] =	vst v63  }
0x208: {  	s21 =	sadd.s32 $0x50, s1;
	s22 =	simm.s32 $0x76A8  }
0x209: {  	[hbm4b:s21+s3] =	stream.linear.scatter [tilespmem:s22], [sflag:$0x4], $0x80, $0x38;
	[tilespmem:$0x18500] =	vst v63  }
0x20a: {  	s25 =	sadd.s32 $0x60, s1;
	s26 =	simm.s32 $0x7730  }
0x20b: {  	[hbm4b:s25+s3] =	stream.linear.scatter [tilespmem:s26], [sflag:$0x4], $0x80, $0x38;
	[tilespmem:$0x18500] =	vst v63  }
0x20c: {  	s1 =	sadd.s32 $0x70, s1;
	s28 =	simm.s32 $0x77B8  }
0x20d: {  	[hbm4b:s1+s3] =	stream.linear.scatter [tilespmem:s28], [sflag:$0x4], $0x80, $0x38;
	[tilespmem:$0x18500] =	vst v63  }
0x20e: {  	s4 =	simm.s32 $0x7840;
	s1 =	sadd.s32 s0, s13  }
0x20f: {  	[hbm4b:s1+s3] =	stream.linear.scatter [tilespmem:s4], [sflag:$0x4], $0x80, $0x38;
	[tilespmem:$0x18500] =	vst v63  }
0x210: {  	s18 =	simm.s32 $0x78C8;
	s16 =	sadd.s32 $0x10, s1  }
0x211: {  	[hbm4b:s16+s3] =	stream.linear.scatter [tilespmem:s18], [sflag:$0x4], $0x80, $0x38;
	[tilespmem:$0x18500] =	vst v63  }
0x212: {  	s21 =	simm.s32 $0x7950;
	s20 =	sadd.s32 $0x20, s1  }
0x213: {  	[hbm4b:s20+s3] =	stream.linear.scatter [tilespmem:s21], [sflag:$0x4], $0x80, $0x38;
	[tilespmem:$0x18500] =	vst v63  }
0x214: {  	s25 =	simm.s32 $0x79D8;
	s22 =	sadd.s32 $0x30, s1  }
0x215: {  	[hbm4b:s22+s3] =	stream.linear.scatter [tilespmem:s25], [sflag:$0x4], $0x80, $0x38;
	[tilespmem:$0x18500] =	vst v63  }
0x216: {  	s28 =	simm.s32 $0x7A60;
	s26 =	sadd.s32 $0x40, s1  }
0x217: {  	[hbm4b:s26+s3] =	stream.linear.scatter [tilespmem:s28], [sflag:$0x4], $0x80, $0x38;
	[tilespmem:$0x18500] =	vst v63  }
0x218: {  	s16 =	sadd.s32 $0x50, s1;
	s18 =	simm.s32 $0x7AE8  }
0x219: {  	[hbm4b:s16+s3] =	stream.linear.scatter [tilespmem:s18], [sflag:$0x4], $0x80, $0x38;
	[tilespmem:$0x18500] =	vst v63  }
0x21a: {  	s20 =	sadd.s32 $0x60, s1;
	s21 =	simm.s32 $0x7B70  }
0x21b: {  	[hbm4b:s20+s3] =	stream.linear.scatter [tilespmem:s21], [sflag:$0x4], $0x80, $0x38;
	[tilespmem:$0x18500] =	vst v63  }
0x21c: {  	s1 =	sadd.s32 $0x70, s1;
	s22 =	simm.s32 $0x7BF8  }
0x21d: {  	[hbm4b:s1+s3] =	stream.linear.scatter [tilespmem:s22], [sflag:$0x4], $0x80, $0x38;
	[tilespmem:$0x18500] =	vst v63  }
0x21e: {  	s25 =	simm.s32 $0x7C80;
	s1 =	sadd.s32 s0, s14  }
0x21f: {  	[hbm4b:s1+s3] =	stream.linear.scatter [tilespmem:s25], [sflag:$0x4], $0x80, $0x38;
	[tilespmem:$0x18500] =	vst v63  }
0x220: {  	s28 =	simm.s32 $0x7D08;
	s26 =	sadd.s32 $0x10, s1  }
0x221: {  	[hbm4b:s26+s3] =	stream.linear.scatter [tilespmem:s28], [sflag:$0x4], $0x80, $0x38;
	[tilespmem:$0x18500] =	vst v63  }
0x222: {  	s18 =	simm.s32 $0x7D90;
	s16 =	sadd.s32 $0x20, s1  }
0x223: {  	[hbm4b:s16+s3] =	stream.linear.scatter [tilespmem:s18], [sflag:$0x4], $0x80, $0x38;
	[tilespmem:$0x18500] =	vst v63  }
0x224: {  	s21 =	simm.s32 $0x7E18;
	s20 =	sadd.s32 $0x30, s1  }
0x225: {  	[hbm4b:s20+s3] =	stream.linear.scatter [tilespmem:s21], [sflag:$0x4], $0x80, $0x38;
	[tilespmem:$0x18500] =	vst v63  }
0x226: {  	s22 =	sadd.s32 $0x40, s1;
	s25 =	simm.s32 $0x7EA0  }
0x227: {  	[hbm4b:s22+s3] =	stream.linear.scatter [tilespmem:s25], [sflag:$0x4], $0x80, $0x38;
	[tilespmem:$0x18500] =	vst v63  }
0x228: {  	s26 =	sadd.s32 $0x50, s1;
	s28 =	simm.s32 $0x7F28  }
0x229: {  	[hbm4b:s26+s3] =	stream.linear.scatter [tilespmem:s28], [sflag:$0x4], $0x80, $0x38;
	[tilespmem:$0x18500] =	vst v63  }
0x22a: {  	s16 =	sadd.s32 $0x60, s1;
	s18 =	simm.s32 $0x7FB0  }
0x22b: {  	[hbm4b:s16+s3] =	stream.linear.scatter [tilespmem:s18], [sflag:$0x4], $0x80, $0x38;
	[tilespmem:$0x18500] =	vst v63  }
0x22c: {  	s1 =	sadd.s32 $0x70, s1;
	s20 =	simm.s32 $0x8038  }
0x22d: {  	[hbm4b:s1+s3] =	stream.linear.scatter [tilespmem:s20], [sflag:$0x4], $0x80, $0x38;
	[tilespmem:$0x18500] =	vst v63  }
0x22e: {  	s0 =	sadd.s32 s0, s15;
	s21 =	simm.s32 $0x80C0  }
0x22f: {  	[hbm4b:s0+s3] =	stream.linear.scatter [tilespmem:s21], [sflag:$0x4], $0x80, $0x38;
	[tilespmem:$0x18500] =	vst v63  }
0x230: {  	s22 =	sadd.s32 $0x10, s0;
	s25 =	simm.s32 $0x8148  }
0x231: {  	[hbm4b:s22+s3] =	stream.linear.scatter [tilespmem:s25], [sflag:$0x4], $0x80, $0x38;
	[tilespmem:$0x18500] =	vst v63  }
0x232: {  	s26 =	sadd.s32 $0x20, s0;
	s28 =	simm.s32 $0x81D0  }
0x233: {  	[hbm4b:s26+s3] =	stream.linear.scatter [tilespmem:s28], [sflag:$0x4], $0x80, $0x38;
	[tilespmem:$0x18500] =	vst v63  }
0x234: {  	s4 =	sadd.s32 $0x30, s0;
	s16 =	simm.s32 $0x8258  }
0x235: {  	[hbm4b:s4+s3] =	stream.linear.scatter [tilespmem:s16], [sflag:$0x4], $0x80, $0x38;
	[tilespmem:$0x18500] =	vst v63  }
0x236: {  	s17 =	sadd.s32 $0x1, s17;
	s18 =	sadd.s32 $0x40, s0;
	s20 =	simm.s32 $0x82E0  }
0x237: {  	[hbm4b:s18+s3] =	stream.linear.scatter [tilespmem:s20], [sflag:$0x4], $0x80, $0x38;
	[tilespmem:$0x18500] =	vst v63  }
0x238: {  	p0 =	sne.s32 s17, $0x80;
	s21 =	sadd.s32 $0x50, s0;
	s22 =	simm.s32 $0x8368  }
0x239: {  	[hbm4b:s21+s3] =	stream.linear.scatter [tilespmem:s22], [sflag:$0x4], $0x80, $0x38;
	[tilespmem:$0x18500] =	vst v63  }
.Ltmp5:
0x23a: {  	_ = 	snop;
	(pc) =	sbr.rel @p0 .LBB2_2-.Ltmp5, $4  }
0x23b: {  	s8 =	sadd.s32 $0x1, s8;
	s25 =	sadd.s32 $0x60, s0;
	s26 =	simm.s32 $0x83F0  }
0x23c: {  	[hbm4b:s25+s3] =	stream.linear.scatter [tilespmem:s26], [sflag:$0x4], $0x80, $0x38;
	[tilespmem:$0x18500] =	vst v63  }
0x23d: {  	s6 =	sadd.s32 $0x2, s6;
	s0 =	sadd.s32 $0x70, s0;
	s28 =	simm.s32 $0x8478  }
0x23e: {  	[hbm4b:s0+s3] =	stream.linear.scatter [tilespmem:s28], [sflag:$0x4], $0x80, $0x38;
	[tilespmem:$0x18500] =	vst v63  }
0x23f: {  	s0 =	simm.s32 $0x3  }
0x240: {  	_ =	swait.ge [sflag:s0], $0x400  }
0x241: {  	[sflag:s0] =	ssyncset.done $0x0  }
0x242: {  	[sflag:s0] =	ssyncadd.s32 $0xFFFFFC00  }
0x243: {  	_ =	swait.ge [sflag:s0], $0x400  }
0x244: {  	[sflag:s0] =	ssyncset.done $0x0  }
0x245: {  	[sflag:s0] =	ssyncadd.s32 $0xFFFFFC00  }
0x246: {  	_ =	swait.ge [sflag:s0], $0x400  }
0x247: {  	[sflag:s0] =	ssyncset.done $0x0  }
0x248: {  	[sflag:s0] =	ssyncadd.s32 $0xFFFFFC00  }
0x249: {  	_ =	swait.ge [sflag:s0], $0x400  }
0x24a: {  	[sflag:s0] =	ssyncset.done $0x0  }
0x24b: {  	[sflag:s0] =	ssyncadd.s32 $0xFFFFFC00  }
0x24c: {  	_ =	swait.ge [sflag:s0], $0x400  }
0x24d: {  	[sflag:s0] =	ssyncset.done $0x0  }
0x24e: {  	[sflag:s0] =	ssyncadd.s32 $0xFFFFFC00  }
0x24f: {  	_ =	swait.ge [sflag:s0], $0x400  }
0x250: {  	[sflag:s0] =	ssyncset.done $0x0  }
0x251: {  	[sflag:s0] =	ssyncadd.s32 $0xFFFFFC00  }
0x252: {  	_ =	swait.ge [sflag:s0], $0x400  }
0x253: {  	[sflag:s0] =	ssyncset.done $0x0  }
0x254: {  	[sflag:s0] =	ssyncadd.s32 $0xFFFFFC00  }
0x255: {  	_ =	swait.ge [sflag:s0], $0x400  }
0x256: {  	[sflag:s0] =	ssyncset.done $0x0  }
0x257: {  	[sflag:s0] =	ssyncadd.s32 $0xFFFFFC00  }
0x258: {  	_ =	swait.ge [sflag:s30], $0x400  }
0x259: {  	[sflag:s30] =	ssyncset.done $0x0  }
0x25a: {  	[sflag:s30] =	ssyncadd.s32 $0xFFFFFC00  }
0x25b: {  	_ =	swait.ge [sflag:s30], $0x400  }
0x25c: {  	[sflag:s30] =	ssyncset.done $0x0  }
0x25d: {  	[sflag:s30] =	ssyncadd.s32 $0xFFFFFC00  }
0x25e: {  	_ =	swait.ge [sflag:s30], $0x400  }
0x25f: {  	[sflag:s30] =	ssyncset.done $0x0  }
0x260: {  	[sflag:s30] =	ssyncadd.s32 $0xFFFFFC00  }
0x261: {  	_ =	swait.ge [sflag:s30], $0x400  }
0x262: {  	[sflag:s30] =	ssyncset.done $0x0  }
0x263: {  	[sflag:s30] =	ssyncadd.s32 $0xFFFFFC00  }
0x264: {  	_ =	swait.ge [sflag:s30], $0x400  }
0x265: {  	[sflag:s30] =	ssyncset.done $0x0  }
0x266: {  	[sflag:s30] =	ssyncadd.s32 $0xFFFFFC00  }
0x267: {  	_ =	swait.ge [sflag:s30], $0x400  }
0x268: {  	[sflag:s30] =	ssyncset.done $0x0  }
0x269: {  	[sflag:s30] =	ssyncadd.s32 $0xFFFFFC00  }
0x26a: {  	_ =	swait.ge [sflag:s30], $0x400  }
0x26b: {  	[sflag:s30] =	ssyncset.done $0x0  }
0x26c: {  	[sflag:s30] =	ssyncadd.s32 $0xFFFFFC00  }
0x26d: {  	_ =	swait.ge [sflag:s30], $0x400  }
0x26e: {  	s1 =	rddreg [dreg:$0x9]  }
0x26f: {  	s28 =	rddreg [dreg:$0x7];
	s1 =	sadd.s32 $0x1, s1  }
0x270: {  	p0 =	sne.s32 s1, s28  }
.Ltmp6:
0x271: {  	_ = 	snop;
	(pc) =	sbr.rel @p0 .LBB2_1-.Ltmp6, $3  }
0x272: {  	_ =	sdelay $0x1  }
0x273: {  	[sflag:s30] =	ssyncset.done $0x0  }
0x274: {  	[sflag:s30] =	ssyncadd.s32 $0xFFFFFC00  }
0x275: {  	_ =	sfence.sel $0x180000  }
0x276: {  	[bflag:$0x0] =	sbarrier.arrive $0xFFFF  }
0x277: {  	_ =	strace $0x90000047  }
0x278: {  	s0 =	stileid.u32;
	[bflag:$0x2] =	sbarrier.arrive $0xFFFF  }
0x279: {  	p0 =	sne.s32 s0, $0x0;
	s0 =	rddreg [dreg:$0x2]  }
0x27a: {  	s0 =	sadd.s32 @!p0 $0x100000, s0  }
0x27b: {  	[sflag:s0] =	ssyncadd.tile.s32 @!p0 $0x1;
	_ =	shalt  }
.Lfunc_end2:
_tile_overlayer_lowered:
.L_overlay_start_2:
0x27c: {  	(tag) =	ssettag $0x2  }
0x27d: {  	s0 =	rddreg [dreg:$0x0];
	s2 =	stileid.u32  }
0x27e: {  	s1 =	rddreg [dreg:$0x1];
	p0 =	sne.s32 s2, $0x0  }
0x27f: {  	s3 =	rddreg [dreg:$0x2];
	[bflag:$0x3] =	sbarrier.arrive $0xFFFF;
	s2 =	simm.s32 @!p0 $0x1C05  }
0x280: {  	[timem:s3], [sflag:s2] =	dma.local @!p0 [hbm:s0], s1  }
0x281: {  	s0 =	simm.s32 @!p0 $0x5  }
0x282: {  	_ =	swait.ge @!p0 [sflag:s0], s1  }
0x283: {  	s1 =	ssub.s32 @!p0 $0x0, s1;
	[sflag:s0] =	ssyncset.done @!p0 $0x0  }
0x284: {  	[sflag:s0] =	ssyncadd.s32 @!p0 s1  }
0x285: {  	[bflag:$0x3] =	sbarrier.arrive $0xFFFF  }
0x286: {  	_ =	shalt  }

</sc_bundles>
